<compile_context>
chip_gen: v7x
topology: tpu7x:2x2x1
jax: 0.10.2.dev20260603
libtpu: 0.0.44.dev20260713+nightly
codegen_flags: <defaults>
</compile_context>

<pallas_src>
import functools

import jax
import jax.numpy as jnp
from jax import lax
from jax.experimental import pallas as pl
from jax.experimental.pallas import tpu as pltpu
from jax.experimental.pallas import tpu_sc as plsc

N = 10000
E = 320000
D_IN = 26
H = 128
OUT = 64
EPS = 1e-5

NC = 2
NS = 16
NW = NC * NS
EPW = E // NW
K = 128
EPAD = NW * 80 * K
NCHUNK = EPAD // (NW * K)
NPAD = 10240
RPT = NPAD // NS
TRASH = NPAD - 8

B = 1000
GRID = N // B


@functools.cache
def _sc_kernels():
    mesh = plsc.VectorSubcoreMesh(core_axis_name="c", subcore_axis_name="s",
                                  num_cores=NC, num_subcores=NS)

    @functools.partial(
        pl.kernel,
        out_type=jax.ShapeDtypeStruct((NC, NPAD, H), jnp.float32),
        mesh=mesh,
        scratch_types=[
            pltpu.VMEM((NCHUNK, K), jnp.int32),
            pltpu.VMEM((K, H), jnp.float32),
            pltpu.VMEM_SHARED((NPAD, H), jnp.float32),
        ],
    )
    def _sc_deg(cols_hbm, zeros_hbm, ones_hbm, degp_hbm, cidx_v, ones_v, deg_sh):
        c = lax.axis_index("c")
        s = lax.axis_index("s")
        tid = c * NS + s
        pltpu.sync_copy(cols_hbm.at[tid], cidx_v)
        pltpu.sync_copy(ones_hbm, ones_v)
        pltpu.sync_copy(zeros_hbm, deg_sh.at[pl.ds(s * RPT, RPT)])
        plsc.subcore_barrier()

        def body(j, carry):
            pltpu.sync_copy(ones_v, deg_sh.at[cidx_v.at[j]], add=True)
            return carry

        lax.fori_loop(0, NCHUNK, body, 0)
        plsc.subcore_barrier()
        pltpu.sync_copy(deg_sh.at[pl.ds(s * RPT, RPT)],
                        degp_hbm.at[c, pl.ds(s * RPT, RPT)])

    @functools.partial(
        pl.kernel,
        out_type=jax.ShapeDtypeStruct((NC, NPAD, H), jnp.float32),
        mesh=mesh,
        scratch_types=[
            pltpu.VMEM((2, 2, K), jnp.int32),
            pltpu.VMEM((2, 2, K), jnp.int32),
            pltpu.VMEM((K, H), jnp.float32),
            pltpu.VMEM((K, H), jnp.float32),
            pltpu.VMEM_SHARED((NPAD, H), jnp.float32),
            pltpu.SemaphoreType.DMA,
            pltpu.SemaphoreType.DMA,
            pltpu.SemaphoreType.DMA,
            pltpu.SemaphoreType.DMA,
        ],
    )
    def _sc_conv(rc_hbm, t_hbm, zeros_hbm, sp_hbm,
                 ia_v, ib_v, gbuf0_v, gbuf1_v, acc_sh, sem0, sem1, sema,
                 semb):
        c = lax.axis_index("c")
        s = lax.axis_index("s")
        tid = c * NS + s
        pltpu.sync_copy(zeros_hbm, acc_sh.at[pl.ds(s * RPT, RPT)])
        plsc.subcore_barrier()

        def g_start(ibuf, row, gb, sem):
            pltpu.async_copy(t_hbm.at[ibuf.at[row, 0]], gb, sem)

        def g_wait(ibuf, row, gb, sem):
            pltpu.make_async_copy(t_hbm.at[ibuf.at[row, 0]], gb, sem).wait()

        def scat(ibuf, row, gb):
            pltpu.sync_copy(gb, acc_sh.at[ibuf.at[row, 1]], add=True)

        def i_start(j2, ibuf, sem):
            pltpu.async_copy(rc_hbm.at[tid, pl.ds(j2, 2)], ibuf, sem)

        def i_wait(j2, ibuf, sem):
            pltpu.make_async_copy(rc_hbm.at[tid, pl.ds(j2, 2)], ibuf,
                                  sem).wait()

        NQUAD = NCHUNK // 4
        pltpu.sync_copy(rc_hbm.at[tid, pl.ds(0, 2)], ia_v)
        i_start(2, ib_v, semb)
        g_start(ia_v, 0, gbuf0_v, sem0)

        def body(i, carry):
            q = 4 * i
            g_start(ia_v, 1, gbuf1_v, sem1)
            g_wait(ia_v, 0, gbuf0_v, sem0)
            scat(ia_v, 0, gbuf0_v)
            i_wait(q + 2, ib_v, semb)
            g_start(ib_v, 0, gbuf0_v, sem0)
            g_wait(ia_v, 1, gbuf1_v, sem1)
            scat(ia_v, 1, gbuf1_v)

            @pl.when(q + 5 < NCHUNK)
            def _():
                i_start(q + 4, ia_v, sema)

            g_start(ib_v, 1, gbuf1_v, sem1)
            g_wait(ib_v, 0, gbuf0_v, sem0)
            scat(ib_v, 0, gbuf0_v)

            @pl.when(q + 5 < NCHUNK)
            def _():
                i_wait(q + 4, ia_v, sema)
                g_start(ia_v, 0, gbuf0_v, sem0)

            g_wait(ib_v, 1, gbuf1_v, sem1)
            scat(ib_v, 1, gbuf1_v)

            @pl.when(q + 7 < NCHUNK)
            def _():
                i_start(q + 6, ib_v, semb)

            return carry

        lax.fori_loop(0, NQUAD, body, 0)
        plsc.subcore_barrier()
        pltpu.sync_copy(acc_sh.at[pl.ds(s * RPT, RPT)],
                        sp_hbm.at[c, pl.ds(s * RPT, RPT)])

    return _sc_deg, _sc_conv



def _dinv_block(degp):
    deg = degp[0, :, 0:1] + degp[1, :, 0:1] + 1.0
    return lax.rsqrt(deg)


def _prologue_body(x_ref, w0_ref, b0_ref, w1_ref, b1_ref, wg1_ref, degp_ref,
                   gi_ref, t1_ref, dinv16_ref):
    h = jnp.maximum(
        jnp.dot(x_ref[...], w0_ref[...], preferred_element_type=jnp.float32)
        + b0_ref[...], 0.0)
    gi = jnp.dot(h, w1_ref[...], preferred_element_type=jnp.float32) + b1_ref[...]
    gi_ref[...] = gi
    dinv = _dinv_block(degp_ref[...])
    dinv16_ref[...] = dinv * jnp.ones((1, 16), jnp.float32)
    t1_ref[...] = jnp.dot(gi, wg1_ref[...],
                          preferred_element_type=jnp.float32) * dinv


def _prologue(x, W0, b0, W1, b1, Wg1, degp):
    return pl.pallas_call(
        _prologue_body,
        grid=(GRID,),
        in_specs=[
            pl.BlockSpec((B, D_IN), lambda i: (i, 0)),
            pl.BlockSpec((D_IN, H), lambda i: (0, 0)),
            pl.BlockSpec((1, H), lambda i: (0, 0)),
            pl.BlockSpec((H, H), lambda i: (0, 0)),
            pl.BlockSpec((1, H), lambda i: (0, 0)),
            pl.BlockSpec((H, H), lambda i: (0, 0)),
            pl.BlockSpec((NC, B, H), lambda i: (0, i, 0)),
        ],
        out_specs=[
            pl.BlockSpec((B, H), lambda i: (i, 0)),
            pl.BlockSpec((B, H), lambda i: (i, 0)),
            pl.BlockSpec((B, 16), lambda i: (i, 0)),
        ],
        out_shape=[
            jax.ShapeDtypeStruct((N, H), jnp.float32),
            jax.ShapeDtypeStruct((N, H), jnp.float32),
            jax.ShapeDtypeStruct((N, 16), jnp.float32),
        ],
    )(x, W0, b0, W1, b1, Wg1, degp)


def _combine_body(sp_ref, t_ref, dinv16_ref, bg_ref, g_ref, st_ref):
    i = pl.program_id(0)
    sp = sp_ref[...]
    dinv = dinv16_ref[...][:, 0:1]
    g = (sp[0] + sp[1] + t_ref[...]) * dinv + bg_ref[...]
    g_ref[...] = g

    @pl.when(i == 0)
    def _():
        st_ref[...] = jnp.zeros((8, H), jnp.float32)

    st_ref[0:1, :] += jnp.sum(g, axis=0, keepdims=True)
    st_ref[1:2, :] += jnp.sum(g * g, axis=0, keepdims=True)


def _combine(sp, t, dinv16, bg):
    return pl.pallas_call(
        _combine_body,
        grid=(GRID,),
        in_specs=[
            pl.BlockSpec((NC, B, H), lambda i: (0, i, 0)),
            pl.BlockSpec((B, H), lambda i: (i, 0)),
            pl.BlockSpec((B, 16), lambda i: (i, 0)),
            pl.BlockSpec((1, H), lambda i: (0, 0)),
        ],
        out_specs=[
            pl.BlockSpec((B, H), lambda i: (i, 0)),
            pl.BlockSpec((8, H), lambda i: (0, 0)),
        ],
        out_shape=[
            jax.ShapeDtypeStruct((N, H), jnp.float32),
            jax.ShapeDtypeStruct((8, H), jnp.float32),
        ],
    )(sp, t, dinv16, bg)


def _mid_body(g_ref, st_ref, gamma_ref, beta_ref, gi_ref, wg2_ref, dinv16_ref,
              t2_ref):
    mu = st_ref[0:1, :] / N
    var = st_ref[1:2, :] / N - mu * mu
    inv = lax.rsqrt(var + EPS)
    xh = (g_ref[...] - mu) * (gamma_ref[...] * inv) + beta_ref[...]
    r = jnp.maximum(xh, 0.0) + gi_ref[...]
    dinv = dinv16_ref[...][:, 0:1]
    t2_ref[...] = jnp.dot(r, wg2_ref[...],
                          preferred_element_type=jnp.float32) * dinv


def _mid(g1, st1, gamma1, beta1, gi, Wg2, dinv16):
    return pl.pallas_call(
        _mid_body,
        grid=(GRID,),
        in_specs=[
            pl.BlockSpec((B, H), lambda i: (i, 0)),
            pl.BlockSpec((8, H), lambda i: (0, 0)),
            pl.BlockSpec((1, H), lambda i: (0, 0)),
            pl.BlockSpec((1, H), lambda i: (0, 0)),
            pl.BlockSpec((B, H), lambda i: (i, 0)),
            pl.BlockSpec((H, H), lambda i: (0, 0)),
            pl.BlockSpec((B, 16), lambda i: (i, 0)),
        ],
        out_specs=pl.BlockSpec((B, H), lambda i: (i, 0)),
        out_shape=jax.ShapeDtypeStruct((N, H), jnp.float32),
    )(g1, st1, gamma1, beta1, gi, Wg2, dinv16)


def _epilogue_body(g_ref, st_ref, gamma_ref, beta_ref, wo_ref, bo_ref, o_ref):
    mu = st_ref[0:1, :] / N
    var = st_ref[1:2, :] / N - mu * mu
    inv = lax.rsqrt(var + EPS)
    xh = (g_ref[...] - mu) * (gamma_ref[...] * inv) + beta_ref[...]
    o_ref[...] = jnp.dot(xh, wo_ref[...],
                         preferred_element_type=jnp.float32) + bo_ref[...]


def _epilogue(g2, st2, gamma2, beta2, Wo, bo):
    return pl.pallas_call(
        _epilogue_body,
        grid=(GRID,),
        in_specs=[
            pl.BlockSpec((B, H), lambda i: (i, 0)),
            pl.BlockSpec((8, H), lambda i: (0, 0)),
            pl.BlockSpec((1, H), lambda i: (0, 0)),
            pl.BlockSpec((1, H), lambda i: (0, 0)),
            pl.BlockSpec((H, OUT), lambda i: (0, 0)),
            pl.BlockSpec((1, OUT), lambda i: (0, 0)),
        ],
        out_specs=pl.BlockSpec((B, OUT), lambda i: (i, 0)),
        out_shape=jax.ShapeDtypeStruct((N, OUT), jnp.float32),
    )(g2, st2, gamma2, beta2, Wo, bo)



def kernel(x, edge_index, edge_attr, W0, b0, W1, b1, Wg1, bg1, Wg2, bg2,
           gamma1, beta1, gamma2, beta2, Wo, bo):
    npads = EPAD - E
    pad_src = (jnp.arange(npads, dtype=jnp.int32) * 61) % N
    pad_dst = N + (jnp.arange(npads, dtype=jnp.int32) % (NPAD - N))
    pad = jnp.stack([pad_src, pad_dst])
    ei = jnp.concatenate([edge_index, pad], axis=1)
    cols3 = ei[1].reshape(NW, NCHUNK, K)
    rc = ei.reshape(2, NW, NCHUNK, K).transpose(1, 2, 0, 3)
    ones128 = jnp.ones((K, H), jnp.float32)
    zerosNH = jnp.zeros((RPT, H), jnp.float32)

    sc_deg, sc_conv = _sc_kernels()
    degp = sc_deg(cols3, zerosNH, ones128)
    gi, t1, dinv16 = _prologue(x, W0, b0.reshape(1, H), W1, b1.reshape(1, H),
                               Wg1, degp)
    s1p = sc_conv(rc, t1, zerosNH)
    g1, st1 = _combine(s1p, t1, dinv16, bg1.reshape(1, H))
    t2 = _mid(g1, st1, gamma1.reshape(1, H), beta1.reshape(1, H), gi, Wg2,
              dinv16)
    s2p = sc_conv(rc, t2, zerosNH)
    g2, st2 = _combine(s2p, t2, dinv16, bg2.reshape(1, H))
    return _epilogue(g2, st2, gamma2.reshape(1, H), beta2.reshape(1, H),
                     Wo, bo.reshape(1, OUT))

# --- scband reference (transcript-rebuilt; emitter-appended) ---
"""Pipeline reference for scband-mlp-gnn-57604101374612 (READ-ONLY COPY).

The authoritative reference and input builder live on the scoring server;
editing this copy changes nothing except your own understanding.
"""

import jax, jax.numpy as jnp
import numpy as np

N = 10000
E = 320000
D_IN = 26
H = 128
OUT = 64


def setup_inputs(seed: int = 0) -> dict:
    key = jax.random.key(seed)
    ks = jax.random.split(key, 20)
    inp = {}
    inp['x'] = jax.random.normal(ks[0], (N, D_IN), dtype=jnp.float32)
    inp['edge_index'] = jax.random.randint(ks[1], (2, E), 0, N, dtype=jnp.int32)
    inp['edge_attr'] = jax.random.normal(ks[2], (E, 4), dtype=jnp.float32)
    # MLP params (Linear(26,128) then Linear(128,128))
    inp['W0'] = jax.random.normal(ks[3], (D_IN, H), dtype=jnp.float32) / np.sqrt(D_IN)
    inp['b0'] = jnp.zeros((H,), dtype=jnp.float32)
    inp['W1'] = jax.random.normal(ks[4], (H, H), dtype=jnp.float32) / np.sqrt(H)
    inp['b1'] = jnp.zeros((H,), dtype=jnp.float32)
    # GCNConv weights
    inp['Wg1'] = jax.random.normal(ks[5], (H, H), dtype=jnp.float32) / np.sqrt(H)
    inp['bg1'] = jnp.zeros((H,), dtype=jnp.float32)
    inp['Wg2'] = jax.random.normal(ks[6], (H, H), dtype=jnp.float32) / np.sqrt(H)
    inp['bg2'] = jnp.zeros((H,), dtype=jnp.float32)
    # BatchNorm params
    inp['gamma1'] = jnp.ones((H,), dtype=jnp.float32)
    inp['beta1'] = jnp.zeros((H,), dtype=jnp.float32)
    inp['gamma2'] = jnp.ones((H,), dtype=jnp.float32)
    inp['beta2'] = jnp.zeros((H,), dtype=jnp.float32)
    # output layer
    inp['Wo'] = jax.random.normal(ks[7], (H, OUT), dtype=jnp.float32) / np.sqrt(H)
    inp['bo'] = jnp.zeros((OUT,), dtype=jnp.float32)
    return inp


def _gcn_conv(x, edge_index, W, b, num_nodes):
    # torch_geometric GCNConv: add self-loops, symmetric normalization, sum aggregation
    xw = x @ W
    loop = jnp.arange(num_nodes, dtype=edge_index.dtype)
    row = jnp.concatenate([edge_index[0], loop])
    col = jnp.concatenate([edge_index[1], loop])
    deg = jnp.zeros((num_nodes,), dtype=x.dtype).at[col].add(1.0)
    dinv = jnp.where(deg > 0, deg ** -0.5, 0.0)
    norm = dinv[row] * dinv[col]
    msg = xw[row] * norm[:, None]
    out = jnp.zeros_like(xw).at[col].add(msg)
    return out + b


def _bn(x, gamma, beta, eps=1e-5):
    # BatchNorm1d in training mode: batch statistics, biased variance
    mu = jnp.mean(x, axis=0)
    var = jnp.mean((x - mu) ** 2, axis=0)
    return gamma * (x - mu) / jnp.sqrt(var + eps) + beta


def reference(x, edge_index, edge_attr, W0, b0, W1, b1, Wg1, bg1, Wg2, bg2, gamma1, beta1, gamma2, beta2, Wo, bo):
    num_nodes = x.shape[0]
    # MLP: returns pre-activation output of last layer
    h = jax.nn.relu(x @ W0 + b0)
    gnn_input = h @ W1 + b1
    # GCN branch (edge_attr unused for GCN)
    g1 = _gcn_conv(gnn_input, edge_index, Wg1, bg1, num_nodes)
    g1 = _bn(g1, gamma1, beta1)
    g1 = jax.nn.relu(g1)
    res = g1 + gnn_input
    g2 = _gcn_conv(res, edge_index, Wg2, bg2, num_nodes)
    g2 = _bn(g2, gamma2, beta2)
    output = g2 @ Wo + bo
    return output

if __name__ == "__main__":
    import jax
    _d = setup_inputs()
    print(jax.jit(kernel)(*tuple(_d.values())))

</pallas_src>

<mosaic_0001>
#map = affine_map<(d0, d1) -> (0, 0, 0, 0)>
#map1 = affine_map<(d0, d1) -> (0, 0)>
#map2 = affine_map<(d0, d1) -> (0, 0, 0)>
module attributes {stable_mosaic.version = 14 : i64} {
  func.func @_sc_conv(%arg0: i32, %arg1: i32, %arg2: memref<32x80x2x128xi32, #tpu.memory_space<hbm>>, %arg3: memref<10000x128xf32, #tpu.memory_space<hbm>>, %arg4: memref<640x128xf32, #tpu.memory_space<hbm>>, %arg5: memref<2x10240x128xf32, #tpu.memory_space<hbm>>, %arg6: memref<2x2x128xi32, #tpu.memory_space<vmem>>, %arg7: memref<2x2x128xi32, #tpu.memory_space<vmem>>, %arg8: memref<128x128xf32, #tpu.memory_space<vmem>>, %arg9: memref<128x128xf32, #tpu.memory_space<vmem>>, %arg10: memref<10240x128xf32, #tpu.memory_space<vmem_shared>>, %arg11: memref<!tpu.dma_semaphore, #tpu.memory_space<semaphore_mem>>, %arg12: memref<!tpu.dma_semaphore, #tpu.memory_space<semaphore_mem>>, %arg13: memref<!tpu.dma_semaphore, #tpu.memory_space<semaphore_mem>>, %arg14: memref<!tpu.dma_semaphore, #tpu.memory_space<semaphore_mem>>) attributes {dimension_semantics = [#tpu.dimension_semantics<core_parallel>, #tpu.dimension_semantics<subcore_parallel>], iteration_bounds = array<i64: 2, 16>, scalar_prefetch = 0 : i64, scratch_operands = 9 : i64, tpu.core_type = #tpu.core_type<sc_vector_subcore>, window_params = [{transform_indices = #map}, {transform_indices = #map1}, {transform_indices = #map1}, {transform_indices = #map2}]} {
    %mul3A = arith.constant 16 : i32
    %mul3A_0 = arith.muli %arg0, %mul3A : i32
    %add3A = arith.addi %mul3A_0, %arg1 : i32
    %mul3A_1 = arith.constant 640 : i32
    %mul3A_2 = arith.muli %arg1, %mul3A_1 : i32
    "tpu.region"() ({
      %run_scoped3A = tpu.sem_alloc : memref<!tpu.dma_semaphore, #tpu.memory_space<semaphore_mem>>
      %dma_start3A_30 = arith.constant 0 : i32
      %dma_start3A_31 = tpu.memref_slice %arg10[%mul3A_2, %dma_start3A_30] : memref<10240x128xf32, #tpu.memory_space<vmem_shared>> -> memref<640x128xf32, #tpu.memory_space<vmem_shared>>
      tpu.enqueue_dma source(%arg4 : memref<640x128xf32, #tpu.memory_space<hbm>>) target(%dma_start3A_31 : memref<640x128xf32, #tpu.memory_space<vmem_shared>>) target_semaphore(%run_scoped3A : memref<!tpu.dma_semaphore, #tpu.memory_space<semaphore_mem>>)
      %dma_wait3A = arith.constant 0 : i32
      %dma_wait3A_32 = tpu.memref_slice %arg10[%mul3A_2, %dma_wait3A] : memref<10240x128xf32, #tpu.memory_space<vmem_shared>> -> memref<640x128xf32, #tpu.memory_space<vmem_shared>>
      tpu.wait_dma2 semaphore(%run_scoped3A : memref<!tpu.dma_semaphore, #tpu.memory_space<semaphore_mem>>) src(%arg4 : memref<640x128xf32, #tpu.memory_space<hbm>>) dst(%dma_wait3A_32 : memref<640x128xf32, #tpu.memory_space<vmem_shared>>)
      tpu.yield
    }) : () -> ()
    %barrier3A = arith.constant 0 : index
    tpu.barrier barrier_id(%barrier3A)
    "tpu.region"() ({
      %run_scoped3A = tpu.sem_alloc : memref<!tpu.dma_semaphore, #tpu.memory_space<semaphore_mem>>
      %dma_start3A_30 = arith.constant 0 : i32
      %dma_start3A_31 = arith.constant 0 : i32
      %dma_start3A_32 = arith.constant 0 : i32
      %dma_start3A_33 = tpu.memref_slice %arg2[%add3A, %dma_start3A_30, %dma_start3A_31, %dma_start3A_32] : memref<32x80x2x128xi32, #tpu.memory_space<hbm>> -> memref<1x2x2x128xi32, #tpu.memory_space<hbm>>
      %dma_start3A_34 = tpu.memref_squeeze %dma_start3A_33 : memref<1x2x2x128xi32, #tpu.memory_space<hbm>> -> memref<2x2x128xi32, #tpu.memory_space<hbm>>
      %dma_start3A_35 = arith.constant 0 : i32
      %dma_start3A_36 = arith.constant 0 : i32
      %dma_start3A_37 = arith.constant 0 : i32
      %dma_start3A_38 = tpu.memref_slice %arg2[%add3A, %dma_start3A_35, %dma_start3A_36, %dma_start3A_37] : memref<32x80x2x128xi32, #tpu.memory_space<hbm>> -> memref<1x2x2x128xi32, #tpu.memory_space<hbm>>
      %dma_start3A_39 = tpu.memref_squeeze %dma_start3A_38 : memref<1x2x2x128xi32, #tpu.memory_space<hbm>> -> memref<2x2x128xi32, #tpu.memory_space<hbm>>
      tpu.enqueue_dma source(%dma_start3A_39 : memref<2x2x128xi32, #tpu.memory_space<hbm>>) target(%arg6 : memref<2x2x128xi32, #tpu.memory_space<vmem>>) target_semaphore(%run_scoped3A : memref<!tpu.dma_semaphore, #tpu.memory_space<semaphore_mem>>)
      %dma_wait3A = arith.constant 0 : i32
      %dma_wait3A_40 = arith.constant 0 : i32
      %dma_wait3A_41 = arith.constant 0 : i32
      %dma_wait3A_42 = tpu.memref_slice %arg2[%add3A, %dma_wait3A, %dma_wait3A_40, %dma_wait3A_41] : memref<32x80x2x128xi32, #tpu.memory_space<hbm>> -> memref<1x2x2x128xi32, #tpu.memory_space<hbm>>
      %dma_wait3A_43 = tpu.memref_squeeze %dma_wait3A_42 : memref<1x2x2x128xi32, #tpu.memory_space<hbm>> -> memref<2x2x128xi32, #tpu.memory_space<hbm>>
      %dma_wait3A_44 = arith.constant 0 : i32
      %dma_wait3A_45 = arith.constant 0 : i32
      %dma_wait3A_46 = arith.constant 0 : i32
      %dma_wait3A_47 = tpu.memref_slice %arg2[%add3A, %dma_wait3A_44, %dma_wait3A_45, %dma_wait3A_46] : memref<32x80x2x128xi32, #tpu.memory_space<hbm>> -> memref<1x2x2x128xi32, #tpu.memory_space<hbm>>
      %dma_wait3A_48 = tpu.memref_squeeze %dma_wait3A_47 : memref<1x2x2x128xi32, #tpu.memory_space<hbm>> -> memref<2x2x128xi32, #tpu.memory_space<hbm>>
      tpu.wait_dma2 semaphore(%run_scoped3A : memref<!tpu.dma_semaphore, #tpu.memory_space<semaphore_mem>>) src(%dma_wait3A_48 : memref<2x2x128xi32, #tpu.memory_space<hbm>>) dst(%arg6 : memref<2x2x128xi32, #tpu.memory_space<vmem>>)
      tpu.yield
    }) : () -> ()
    %dma_start3A = arith.constant 2 : i32
    %dma_start3A_3 = arith.constant 0 : i32
    %dma_start3A_4 = arith.constant 0 : i32
    %dma_start3A_5 = tpu.memref_slice %arg2[%add3A, %dma_start3A, %dma_start3A_3, %dma_start3A_4] : memref<32x80x2x128xi32, #tpu.memory_space<hbm>> -> memref<1x2x2x128xi32, #tpu.memory_space<hbm>>
    %dma_start3A_6 = tpu.memref_squeeze %dma_start3A_5 : memref<1x2x2x128xi32, #tpu.memory_space<hbm>> -> memref<2x2x128xi32, #tpu.memory_space<hbm>>
    %dma_start3A_7 = arith.constant 2 : i32
    %dma_start3A_8 = arith.constant 0 : i32
    %dma_start3A_9 = arith.constant 0 : i32
    %dma_start3A_10 = tpu.memref_slice %arg2[%add3A, %dma_start3A_7, %dma_start3A_8, %dma_start3A_9] : memref<32x80x2x128xi32, #tpu.memory_space<hbm>> -> memref<1x2x2x128xi32, #tpu.memory_space<hbm>>
    %dma_start3A_11 = tpu.memref_squeeze %dma_start3A_10 : memref<1x2x2x128xi32, #tpu.memory_space<hbm>> -> memref<2x2x128xi32, #tpu.memory_space<hbm>>
    tpu.enqueue_dma source(%dma_start3A_11 : memref<2x2x128xi32, #tpu.memory_space<hbm>>) target(%arg7 : memref<2x2x128xi32, #tpu.memory_space<vmem>>) target_semaphore(%arg14 : memref<!tpu.dma_semaphore, #tpu.memory_space<semaphore_mem>>)
    %dma_start3A_12 = arith.constant 0 : i32
    %dma_start3A_13 = arith.constant 0 : i32
    %dma_start3A_14 = arith.constant 0 : i32
    %dma_start3A_15 = tpu.memref_slice %arg6[%dma_start3A_12, %dma_start3A_13, %dma_start3A_14] : memref<2x2x128xi32, #tpu.memory_space<vmem>> -> memref<1x1x128xi32, #tpu.memory_space<vmem>>
    %dma_start3A_16 = tpu.memref_squeeze %dma_start3A_15 : memref<1x1x128xi32, #tpu.memory_space<vmem>> -> memref<128xi32, #tpu.memory_space<vmem>>
    %dma_start3A_17 = arith.constant 0 : i32
    %dma_start3A_18 = arith.constant 0 : i32
    %dma_start3A_19 = tpu.memref_slice %arg3[%dma_start3A_17, %dma_start3A_18] : memref<10000x128xf32, #tpu.memory_space<hbm>> -> memref<10000x128xf32, #tpu.memory_space<hbm>>
    tpu.enqueue_indirect_dma source(%dma_start3A_19 : memref<10000x128xf32, #tpu.memory_space<hbm>>) target(%arg8 : memref<128x128xf32, #tpu.memory_space<vmem>>) offsets(%dma_start3A_16 : memref<128xi32, #tpu.memory_space<vmem>>) semaphore(%arg11 : memref<!tpu.dma_semaphore, #tpu.memory_space<semaphore_mem>>)
    %scan3A = arith.constant 0 : i32
    %scan3A_20 = arith.constant 0 : i32
    %scan3A_21 = arith.constant 20 : i32
    %scan3A_22 = arith.addi %scan3A_20, %scan3A_21 : i32
    %scan3A_23 = arith.constant 1 : i32
    scf.for %scan3A_30 = %scan3A_20 to %scan3A_22 step %scan3A_23  : i32 {
      %mul3A_31 = arith.constant 4 : i32
      %mul3A_32 = arith.muli %mul3A_31, %scan3A_30 : i32
      %dma_start3A_33 = arith.constant 1 : i32
      %dma_start3A_34 = arith.constant 0 : i32
      %dma_start3A_35 = arith.constant 0 : i32
      %dma_start3A_36 = tpu.memref_slice %arg6[%dma_start3A_33, %dma_start3A_34, %dma_start3A_35] : memref<2x2x128xi32, #tpu.memory_space<vmem>> -> memref<1x1x128xi32, #tpu.memory_space<vmem>>
      %dma_start3A_37 = tpu.memref_squeeze %dma_start3A_36 : memref<1x1x128xi32, #tpu.memory_space<vmem>> -> memref<128xi32, #tpu.memory_space<vmem>>
      %dma_start3A_38 = arith.constant 0 : i32
      %dma_start3A_39 = arith.constant 0 : i32
      %dma_start3A_40 = tpu.memref_slice %arg3[%dma_start3A_38, %dma_start3A_39] : memref<10000x128xf32, #tpu.memory_space<hbm>> -> memref<10000x128xf32, #tpu.memory_space<hbm>>
      tpu.enqueue_indirect_dma source(%dma_start3A_40 : memref<10000x128xf32, #tpu.memory_space<hbm>>) target(%arg9 : memref<128x128xf32, #tpu.memory_space<vmem>>) offsets(%dma_start3A_37 : memref<128xi32, #tpu.memory_space<vmem>>) semaphore(%arg12 : memref<!tpu.dma_semaphore, #tpu.memory_space<semaphore_mem>>)
      %dma_wait3A = arith.constant 0 : i32
      %dma_wait3A_41 = arith.constant 0 : i32
      %dma_wait3A_42 = arith.constant 0 : i32
      %dma_wait3A_43 = tpu.memref_slice %arg6[%dma_wait3A, %dma_wait3A_41, %dma_wait3A_42] : memref<2x2x128xi32, #tpu.memory_space<vmem>> -> memref<1x1x128xi32, #tpu.memory_space<vmem>>
      %dma_wait3A_44 = tpu.memref_squeeze %dma_wait3A_43 : memref<1x1x128xi32, #tpu.memory_space<vmem>> -> memref<128xi32, #tpu.memory_space<vmem>>
      %dma_wait3A_45 = arith.constant 0 : i32
      %dma_wait3A_46 = arith.constant 0 : i32
      %dma_wait3A_47 = tpu.memref_slice %arg3[%dma_wait3A_45, %dma_wait3A_46] : memref<10000x128xf32, #tpu.memory_space<hbm>> -> memref<10000x128xf32, #tpu.memory_space<hbm>>
      tpu.wait_indirect_dma semaphore(%arg11 : memref<!tpu.dma_semaphore, #tpu.memory_space<semaphore_mem>>) src(%dma_wait3A_47 : memref<10000x128xf32, #tpu.memory_space<hbm>>) dst(%arg8 : memref<128x128xf32, #tpu.memory_space<vmem>>)
      %run_scoped3A = arith.constant 0 : i32
      %run_scoped3A_48 = arith.constant 1 : i32
      "tpu.region"() ({
        %run_scoped3A_123 = tpu.sem_alloc : memref<!tpu.dma_semaphore, #tpu.memory_space<semaphore_mem>>
        %dma_start3A_124 = arith.constant 0 : i32
        %dma_start3A_125 = tpu.memref_slice %arg6[%run_scoped3A, %run_scoped3A_48, %dma_start3A_124] : memref<2x2x128xi32, #tpu.memory_space<vmem>> -> memref<1x1x128xi32, #tpu.memory_space<vmem>>
        %dma_start3A_126 = tpu.memref_squeeze %dma_start3A_125 : memref<1x1x128xi32, #tpu.memory_space<vmem>> -> memref<128xi32, #tpu.memory_space<vmem>>
        %dma_start3A_127 = arith.constant 0 : i32
        %dma_start3A_128 = arith.constant 0 : i32
        %dma_start3A_129 = tpu.memref_slice %arg10[%dma_start3A_127, %dma_start3A_128] : memref<10240x128xf32, #tpu.memory_space<vmem_shared>> -> memref<10240x128xf32, #tpu.memory_space<vmem_shared>>
        tpu.enqueue_indirect_dma source(%arg8 : memref<128x128xf32, #tpu.memory_space<vmem>>) target(%dma_start3A_129 : memref<10240x128xf32, #tpu.memory_space<vmem_shared>>) offsets(%dma_start3A_126 : memref<128xi32, #tpu.memory_space<vmem>>) semaphore(%run_scoped3A_123 : memref<!tpu.dma_semaphore, #tpu.memory_space<semaphore_mem>>) {add = true}
        %dma_wait3A_130 = arith.constant 0 : i32
        %dma_wait3A_131 = tpu.memref_slice %arg6[%run_scoped3A, %run_scoped3A_48, %dma_wait3A_130] : memref<2x2x128xi32, #tpu.memory_space<vmem>> -> memref<1x1x128xi32, #tpu.memory_space<vmem>>
        %dma_wait3A_132 = tpu.memref_squeeze %dma_wait3A_131 : memref<1x1x128xi32, #tpu.memory_space<vmem>> -> memref<128xi32, #tpu.memory_space<vmem>>
        %dma_wait3A_133 = arith.constant 0 : i32
        %dma_wait3A_134 = arith.constant 0 : i32
        %dma_wait3A_135 = tpu.memref_slice %arg10[%dma_wait3A_133, %dma_wait3A_134] : memref<10240x128xf32, #tpu.memory_space<vmem_shared>> -> memref<10240x128xf32, #tpu.memory_space<vmem_shared>>
        tpu.wait_indirect_dma semaphore(%run_scoped3A_123 : memref<!tpu.dma_semaphore, #tpu.memory_space<semaphore_mem>>) src(%arg8 : memref<128x128xf32, #tpu.memory_space<vmem>>) dst(%dma_wait3A_135 : memref<10240x128xf32, #tpu.memory_space<vmem_shared>>)
        tpu.yield
      }) : () -> ()
      %add3A_49 = arith.constant 2 : i32
      %add3A_50 = arith.addi %mul3A_32, %add3A_49 : i32
      %dma_wait3A_51 = arith.constant 0 : i32
      %dma_wait3A_52 = arith.constant 0 : i32
      %dma_wait3A_53 = tpu.memref_slice %arg2[%add3A, %add3A_50, %dma_wait3A_51, %dma_wait3A_52] : memref<32x80x2x128xi32, #tpu.memory_space<hbm>> -> memref<1x2x2x128xi32, #tpu.memory_space<hbm>>
      %dma_wait3A_54 = tpu.memref_squeeze %dma_wait3A_53 : memref<1x2x2x128xi32, #tpu.memory_space<hbm>> -> memref<2x2x128xi32, #tpu.memory_space<hbm>>
      %dma_wait3A_55 = arith.constant 0 : i32
      %dma_wait3A_56 = arith.constant 0 : i32
      %dma_wait3A_57 = tpu.memref_slice %arg2[%add3A, %add3A_50, %dma_wait3A_55, %dma_wait3A_56] : memref<32x80x2x128xi32, #tpu.memory_space<hbm>> -> memref<1x2x2x128xi32, #tpu.memory_space<hbm>>
      %dma_wait3A_58 = tpu.memref_squeeze %dma_wait3A_57 : memref<1x2x2x128xi32, #tpu.memory_space<hbm>> -> memref<2x2x128xi32, #tpu.memory_space<hbm>>
      tpu.wait_dma2 semaphore(%arg14 : memref<!tpu.dma_semaphore, #tpu.memory_space<semaphore_mem>>) src(%dma_wait3A_58 : memref<2x2x128xi32, #tpu.memory_space<hbm>>) dst(%arg7 : memref<2x2x128xi32, #tpu.memory_space<vmem>>)
      %dma_start3A_59 = arith.constant 0 : i32
      %dma_start3A_60 = arith.constant 0 : i32
      %dma_start3A_61 = arith.constant 0 : i32
      %dma_start3A_62 = tpu.memref_slice %arg7[%dma_start3A_59, %dma_start3A_60, %dma_start3A_61] : memref<2x2x128xi32, #tpu.memory_space<vmem>> -> memref<1x1x128xi32, #tpu.memory_space<vmem>>
      %dma_start3A_63 = tpu.memref_squeeze %dma_start3A_62 : memref<1x1x128xi32, #tpu.memory_space<vmem>> -> memref<128xi32, #tpu.memory_space<vmem>>
      %dma_start3A_64 = arith.constant 0 : i32
      %dma_start3A_65 = arith.constant 0 : i32
      %dma_start3A_66 = tpu.memref_slice %arg3[%dma_start3A_64, %dma_start3A_65] : memref<10000x128xf32, #tpu.memory_space<hbm>> -> memref<10000x128xf32, #tpu.memory_space<hbm>>
      tpu.enqueue_indirect_dma source(%dma_start3A_66 : memref<10000x128xf32, #tpu.memory_space<hbm>>) target(%arg8 : memref<128x128xf32, #tpu.memory_space<vmem>>) offsets(%dma_start3A_63 : memref<128xi32, #tpu.memory_space<vmem>>) semaphore(%arg11 : memref<!tpu.dma_semaphore, #tpu.memory_space<semaphore_mem>>)
      %dma_wait3A_67 = arith.constant 1 : i32
      %dma_wait3A_68 = arith.constant 0 : i32
      %dma_wait3A_69 = arith.constant 0 : i32
      %dma_wait3A_70 = tpu.memref_slice %arg6[%dma_wait3A_67, %dma_wait3A_68, %dma_wait3A_69] : memref<2x2x128xi32, #tpu.memory_space<vmem>> -> memref<1x1x128xi32, #tpu.memory_space<vmem>>
      %dma_wait3A_71 = tpu.memref_squeeze %dma_wait3A_70 : memref<1x1x128xi32, #tpu.memory_space<vmem>> -> memref<128xi32, #tpu.memory_space<vmem>>
      %dma_wait3A_72 = arith.constant 0 : i32
      %dma_wait3A_73 = arith.constant 0 : i32
      %dma_wait3A_74 = tpu.memref_slice %arg3[%dma_wait3A_72, %dma_wait3A_73] : memref<10000x128xf32, #tpu.memory_space<hbm>> -> memref<10000x128xf32, #tpu.memory_space<hbm>>
      tpu.wait_indirect_dma semaphore(%arg12 : memref<!tpu.dma_semaphore, #tpu.memory_space<semaphore_mem>>) src(%dma_wait3A_74 : memref<10000x128xf32, #tpu.memory_space<hbm>>) dst(%arg9 : memref<128x128xf32, #tpu.memory_space<vmem>>)
      %run_scoped3A_75 = arith.constant 1 : i32
      %run_scoped3A_76 = arith.constant 1 : i32
      "tpu.region"() ({
        %run_scoped3A_123 = tpu.sem_alloc : memref<!tpu.dma_semaphore, #tpu.memory_space<semaphore_mem>>
        %dma_start3A_124 = arith.constant 0 : i32
        %dma_start3A_125 = tpu.memref_slice %arg6[%run_scoped3A_75, %run_scoped3A_76, %dma_start3A_124] : memref<2x2x128xi32, #tpu.memory_space<vmem>> -> memref<1x1x128xi32, #tpu.memory_space<vmem>>
        %dma_start3A_126 = tpu.memref_squeeze %dma_start3A_125 : memref<1x1x128xi32, #tpu.memory_space<vmem>> -> memref<128xi32, #tpu.memory_space<vmem>>
        %dma_start3A_127 = arith.constant 0 : i32
        %dma_start3A_128 = arith.constant 0 : i32
        %dma_start3A_129 = tpu.memref_slice %arg10[%dma_start3A_127, %dma_start3A_128] : memref<10240x128xf32, #tpu.memory_space<vmem_shared>> -> memref<10240x128xf32, #tpu.memory_space<vmem_shared>>
        tpu.enqueue_indirect_dma source(%arg9 : memref<128x128xf32, #tpu.memory_space<vmem>>) target(%dma_start3A_129 : memref<10240x128xf32, #tpu.memory_space<vmem_shared>>) offsets(%dma_start3A_126 : memref<128xi32, #tpu.memory_space<vmem>>) semaphore(%run_scoped3A_123 : memref<!tpu.dma_semaphore, #tpu.memory_space<semaphore_mem>>) {add = true}
        %dma_wait3A_130 = arith.constant 0 : i32
        %dma_wait3A_131 = tpu.memref_slice %arg6[%run_scoped3A_75, %run_scoped3A_76, %dma_wait3A_130] : memref<2x2x128xi32, #tpu.memory_space<vmem>> -> memref<1x1x128xi32, #tpu.memory_space<vmem>>
        %dma_wait3A_132 = tpu.memref_squeeze %dma_wait3A_131 : memref<1x1x128xi32, #tpu.memory_space<vmem>> -> memref<128xi32, #tpu.memory_space<vmem>>
        %dma_wait3A_133 = arith.constant 0 : i32
        %dma_wait3A_134 = arith.constant 0 : i32
        %dma_wait3A_135 = tpu.memref_slice %arg10[%dma_wait3A_133, %dma_wait3A_134] : memref<10240x128xf32, #tpu.memory_space<vmem_shared>> -> memref<10240x128xf32, #tpu.memory_space<vmem_shared>>
        tpu.wait_indirect_dma semaphore(%run_scoped3A_123 : memref<!tpu.dma_semaphore, #tpu.memory_space<semaphore_mem>>) src(%arg9 : memref<128x128xf32, #tpu.memory_space<vmem>>) dst(%dma_wait3A_135 : memref<10240x128xf32, #tpu.memory_space<vmem_shared>>)
        tpu.yield
      }) : () -> ()
      %add3A_77 = arith.constant 5 : i32
      %add3A_78 = arith.addi %mul3A_32, %add3A_77 : i32
      %lt3A = arith.constant 80 : i32
      %lt3A_79 = arith.cmpi slt, %add3A_78, %lt3A : i32
      %convert_element_type3A = arith.extui %lt3A_79 : i1 to i32
      %cond3A = arith.constant 0 : i32
      %cond3A_80 = arith.cmpi ne, %convert_element_type3A, %cond3A : i32
      scf.if %cond3A_80 {
        %add3A_123 = arith.constant 4 : i32
        %add3A_124 = arith.addi %mul3A_32, %add3A_123 : i32
        %dma_start3A_125 = arith.constant 0 : i32
        %dma_start3A_126 = arith.constant 0 : i32
        %dma_start3A_127 = tpu.memref_slice %arg2[%add3A, %add3A_124, %dma_start3A_125, %dma_start3A_126] : memref<32x80x2x128xi32, #tpu.memory_space<hbm>> -> memref<1x2x2x128xi32, #tpu.memory_space<hbm>>
        %dma_start3A_128 = tpu.memref_squeeze %dma_start3A_127 : memref<1x2x2x128xi32, #tpu.memory_space<hbm>> -> memref<2x2x128xi32, #tpu.memory_space<hbm>>
        %dma_start3A_129 = arith.constant 0 : i32
        %dma_start3A_130 = arith.constant 0 : i32
        %dma_start3A_131 = tpu.memref_slice %arg2[%add3A, %add3A_124, %dma_start3A_129, %dma_start3A_130] : memref<32x80x2x128xi32, #tpu.memory_space<hbm>> -> memref<1x2x2x128xi32, #tpu.memory_space<hbm>>
        %dma_start3A_132 = tpu.memref_squeeze %dma_start3A_131 : memref<1x2x2x128xi32, #tpu.memory_space<hbm>> -> memref<2x2x128xi32, #tpu.memory_space<hbm>>
        tpu.enqueue_dma source(%dma_start3A_132 : memref<2x2x128xi32, #tpu.memory_space<hbm>>) target(%arg6 : memref<2x2x128xi32, #tpu.memory_space<vmem>>) target_semaphore(%arg13 : memref<!tpu.dma_semaphore, #tpu.memory_space<semaphore_mem>>)
      } else {
      }
      %dma_start3A_81 = arith.constant 1 : i32
      %dma_start3A_82 = arith.constant 0 : i32
      %dma_start3A_83 = arith.constant 0 : i32
      %dma_start3A_84 = tpu.memref_slice %arg7[%dma_start3A_81, %dma_start3A_82, %dma_start3A_83] : memref<2x2x128xi32, #tpu.memory_space<vmem>> -> memref<1x1x128xi32, #tpu.memory_space<vmem>>
      %dma_start3A_85 = tpu.memref_squeeze %dma_start3A_84 : memref<1x1x128xi32, #tpu.memory_space<vmem>> -> memref<128xi32, #tpu.memory_space<vmem>>
      %dma_start3A_86 = arith.constant 0 : i32
      %dma_start3A_87 = arith.constant 0 : i32
      %dma_start3A_88 = tpu.memref_slice %arg3[%dma_start3A_86, %dma_start3A_87] : memref<10000x128xf32, #tpu.memory_space<hbm>> -> memref<10000x128xf32, #tpu.memory_space<hbm>>
      tpu.enqueue_indirect_dma source(%dma_start3A_88 : memref<10000x128xf32, #tpu.memory_space<hbm>>) target(%arg9 : memref<128x128xf32, #tpu.memory_space<vmem>>) offsets(%dma_start3A_85 : memref<128xi32, #tpu.memory_space<vmem>>) semaphore(%arg12 : memref<!tpu.dma_semaphore, #tpu.memory_space<semaphore_mem>>)
      %dma_wait3A_89 = arith.constant 0 : i32
      %dma_wait3A_90 = arith.constant 0 : i32
      %dma_wait3A_91 = arith.constant 0 : i32
      %dma_wait3A_92 = tpu.memref_slice %arg7[%dma_wait3A_89, %dma_wait3A_90, %dma_wait3A_91] : memref<2x2x128xi32, #tpu.memory_space<vmem>> -> memref<1x1x128xi32, #tpu.memory_space<vmem>>
      %dma_wait3A_93 = tpu.memref_squeeze %dma_wait3A_92 : memref<1x1x128xi32, #tpu.memory_space<vmem>> -> memref<128xi32, #tpu.memory_space<vmem>>
      %dma_wait3A_94 = arith.constant 0 : i32
      %dma_wait3A_95 = arith.constant 0 : i32
      %dma_wait3A_96 = tpu.memref_slice %arg3[%dma_wait3A_94, %dma_wait3A_95] : memref<10000x128xf32, #tpu.memory_space<hbm>> -> memref<10000x128xf32, #tpu.memory_space<hbm>>
      tpu.wait_indirect_dma semaphore(%arg11 : memref<!tpu.dma_semaphore, #tpu.memory_space<semaphore_mem>>) src(%dma_wait3A_96 : memref<10000x128xf32, #tpu.memory_space<hbm>>) dst(%arg8 : memref<128x128xf32, #tpu.memory_space<vmem>>)
      %run_scoped3A_97 = arith.constant 0 : i32
      %run_scoped3A_98 = arith.constant 1 : i32
      "tpu.region"() ({
        %run_scoped3A_123 = tpu.sem_alloc : memref<!tpu.dma_semaphore, #tpu.memory_space<semaphore_mem>>
        %dma_start3A_124 = arith.constant 0 : i32
        %dma_start3A_125 = tpu.memref_slice %arg7[%run_scoped3A_97, %run_scoped3A_98, %dma_start3A_124] : memref<2x2x128xi32, #tpu.memory_space<vmem>> -> memref<1x1x128xi32, #tpu.memory_space<vmem>>
        %dma_start3A_126 = tpu.memref_squeeze %dma_start3A_125 : memref<1x1x128xi32, #tpu.memory_space<vmem>> -> memref<128xi32, #tpu.memory_space<vmem>>
        %dma_start3A_127 = arith.constant 0 : i32
        %dma_start3A_128 = arith.constant 0 : i32
        %dma_start3A_129 = tpu.memref_slice %arg10[%dma_start3A_127, %dma_start3A_128] : memref<10240x128xf32, #tpu.memory_space<vmem_shared>> -> memref<10240x128xf32, #tpu.memory_space<vmem_shared>>
        tpu.enqueue_indirect_dma source(%arg8 : memref<128x128xf32, #tpu.memory_space<vmem>>) target(%dma_start3A_129 : memref<10240x128xf32, #tpu.memory_space<vmem_shared>>) offsets(%dma_start3A_126 : memref<128xi32, #tpu.memory_space<vmem>>) semaphore(%run_scoped3A_123 : memref<!tpu.dma_semaphore, #tpu.memory_space<semaphore_mem>>) {add = true}
        %dma_wait3A_130 = arith.constant 0 : i32
        %dma_wait3A_131 = tpu.memref_slice %arg7[%run_scoped3A_97, %run_scoped3A_98, %dma_wait3A_130] : memref<2x2x128xi32, #tpu.memory_space<vmem>> -> memref<1x1x128xi32, #tpu.memory_space<vmem>>
        %dma_wait3A_132 = tpu.memref_squeeze %dma_wait3A_131 : memref<1x1x128xi32, #tpu.memory_space<vmem>> -> memref<128xi32, #tpu.memory_space<vmem>>
        %dma_wait3A_133 = arith.constant 0 : i32
        %dma_wait3A_134 = arith.constant 0 : i32
        %dma_wait3A_135 = tpu.memref_slice %arg10[%dma_wait3A_133, %dma_wait3A_134] : memref<10240x128xf32, #tpu.memory_space<vmem_shared>> -> memref<10240x128xf32, #tpu.memory_space<vmem_shared>>
        tpu.wait_indirect_dma semaphore(%run_scoped3A_123 : memref<!tpu.dma_semaphore, #tpu.memory_space<semaphore_mem>>) src(%arg8 : memref<128x128xf32, #tpu.memory_space<vmem>>) dst(%dma_wait3A_135 : memref<10240x128xf32, #tpu.memory_space<vmem_shared>>)
        tpu.yield
      }) : () -> ()
      %add3A_99 = arith.constant 5 : i32
      %add3A_100 = arith.addi %mul3A_32, %add3A_99 : i32
      %lt3A_101 = arith.constant 80 : i32
      %lt3A_102 = arith.cmpi slt, %add3A_100, %lt3A_101 : i32
      %convert_element_type3A_103 = arith.extui %lt3A_102 : i1 to i32
      %cond3A_104 = arith.constant 0 : i32
      %cond3A_105 = arith.cmpi ne, %convert_element_type3A_103, %cond3A_104 : i32
      scf.if %cond3A_105 {
        %add3A_123 = arith.constant 4 : i32
        %add3A_124 = arith.addi %mul3A_32, %add3A_123 : i32
        %dma_wait3A_125 = arith.constant 0 : i32
        %dma_wait3A_126 = arith.constant 0 : i32
        %dma_wait3A_127 = tpu.memref_slice %arg2[%add3A, %add3A_124, %dma_wait3A_125, %dma_wait3A_126] : memref<32x80x2x128xi32, #tpu.memory_space<hbm>> -> memref<1x2x2x128xi32, #tpu.memory_space<hbm>>
        %dma_wait3A_128 = tpu.memref_squeeze %dma_wait3A_127 : memref<1x2x2x128xi32, #tpu.memory_space<hbm>> -> memref<2x2x128xi32, #tpu.memory_space<hbm>>
        %dma_wait3A_129 = arith.constant 0 : i32
        %dma_wait3A_130 = arith.constant 0 : i32
        %dma_wait3A_131 = tpu.memref_slice %arg2[%add3A, %add3A_124, %dma_wait3A_129, %dma_wait3A_130] : memref<32x80x2x128xi32, #tpu.memory_space<hbm>> -> memref<1x2x2x128xi32, #tpu.memory_space<hbm>>
        %dma_wait3A_132 = tpu.memref_squeeze %dma_wait3A_131 : memref<1x2x2x128xi32, #tpu.memory_space<hbm>> -> memref<2x2x128xi32, #tpu.memory_space<hbm>>
        tpu.wait_dma2 semaphore(%arg13 : memref<!tpu.dma_semaphore, #tpu.memory_space<semaphore_mem>>) src(%dma_wait3A_132 : memref<2x2x128xi32, #tpu.memory_space<hbm>>) dst(%arg6 : memref<2x2x128xi32, #tpu.memory_space<vmem>>)
        %dma_start3A_133 = arith.constant 0 : i32
        %dma_start3A_134 = arith.constant 0 : i32
        %dma_start3A_135 = arith.constant 0 : i32
        %dma_start3A_136 = tpu.memref_slice %arg6[%dma_start3A_133, %dma_start3A_134, %dma_start3A_135] : memref<2x2x128xi32, #tpu.memory_space<vmem>> -> memref<1x1x128xi32, #tpu.memory_space<vmem>>
        %dma_start3A_137 = tpu.memref_squeeze %dma_start3A_136 : memref<1x1x128xi32, #tpu.memory_space<vmem>> -> memref<128xi32, #tpu.memory_space<vmem>>
        %dma_start3A_138 = arith.constant 0 : i32
        %dma_start3A_139 = arith.constant 0 : i32
        %dma_start3A_140 = tpu.memref_slice %arg3[%dma_start3A_138, %dma_start3A_139] : memref<10000x128xf32, #tpu.memory_space<hbm>> -> memref<10000x128xf32, #tpu.memory_space<hbm>>
        tpu.enqueue_indirect_dma source(%dma_start3A_140 : memref<10000x128xf32, #tpu.memory_space<hbm>>) target(%arg8 : memref<128x128xf32, #tpu.memory_space<vmem>>) offsets(%dma_start3A_137 : memref<128xi32, #tpu.memory_space<vmem>>) semaphore(%arg11 : memref<!tpu.dma_semaphore, #tpu.memory_space<semaphore_mem>>)
      } else {
      }
      %dma_wait3A_106 = arith.constant 1 : i32
      %dma_wait3A_107 = arith.constant 0 : i32
      %dma_wait3A_108 = arith.constant 0 : i32
      %dma_wait3A_109 = tpu.memref_slice %arg7[%dma_wait3A_106, %dma_wait3A_107, %dma_wait3A_108] : memref<2x2x128xi32, #tpu.memory_space<vmem>> -> memref<1x1x128xi32, #tpu.memory_space<vmem>>
      %dma_wait3A_110 = tpu.memref_squeeze %dma_wait3A_109 : memref<1x1x128xi32, #tpu.memory_space<vmem>> -> memref<128xi32, #tpu.memory_space<vmem>>
      %dma_wait3A_111 = arith.constant 0 : i32
      %dma_wait3A_112 = arith.constant 0 : i32
      %dma_wait3A_113 = tpu.memref_slice %arg3[%dma_wait3A_111, %dma_wait3A_112] : memref<10000x128xf32, #tpu.memory_space<hbm>> -> memref<10000x128xf32, #tpu.memory_space<hbm>>
      tpu.wait_indirect_dma semaphore(%arg12 : memref<!tpu.dma_semaphore, #tpu.memory_space<semaphore_mem>>) src(%dma_wait3A_113 : memref<10000x128xf32, #tpu.memory_space<hbm>>) dst(%arg9 : memref<128x128xf32, #tpu.memory_space<vmem>>)
      %run_scoped3A_114 = arith.constant 1 : i32
      %run_scoped3A_115 = arith.constant 1 : i32
      "tpu.region"() ({
        %run_scoped3A_123 = tpu.sem_alloc : memref<!tpu.dma_semaphore, #tpu.memory_space<semaphore_mem>>
        %dma_start3A_124 = arith.constant 0 : i32
        %dma_start3A_125 = tpu.memref_slice %arg7[%run_scoped3A_114, %run_scoped3A_115, %dma_start3A_124] : memref<2x2x128xi32, #tpu.memory_space<vmem>> -> memref<1x1x128xi32, #tpu.memory_space<vmem>>
        %dma_start3A_126 = tpu.memref_squeeze %dma_start3A_125 : memref<1x1x128xi32, #tpu.memory_space<vmem>> -> memref<128xi32, #tpu.memory_space<vmem>>
        %dma_start3A_127 = arith.constant 0 : i32
        %dma_start3A_128 = arith.constant 0 : i32
        %dma_start3A_129 = tpu.memref_slice %arg10[%dma_start3A_127, %dma_start3A_128] : memref<10240x128xf32, #tpu.memory_space<vmem_shared>> -> memref<10240x128xf32, #tpu.memory_space<vmem_shared>>
        tpu.enqueue_indirect_dma source(%arg9 : memref<128x128xf32, #tpu.memory_space<vmem>>) target(%dma_start3A_129 : memref<10240x128xf32, #tpu.memory_space<vmem_shared>>) offsets(%dma_start3A_126 : memref<128xi32, #tpu.memory_space<vmem>>) semaphore(%run_scoped3A_123 : memref<!tpu.dma_semaphore, #tpu.memory_space<semaphore_mem>>) {add = true}
        %dma_wait3A_130 = arith.constant 0 : i32
        %dma_wait3A_131 = tpu.memref_slice %arg7[%run_scoped3A_114, %run_scoped3A_115, %dma_wait3A_130] : memref<2x2x128xi32, #tpu.memory_space<vmem>> -> memref<1x1x128xi32, #tpu.memory_space<vmem>>
        %dma_wait3A_132 = tpu.memref_squeeze %dma_wait3A_131 : memref<1x1x128xi32, #tpu.memory_space<vmem>> -> memref<128xi32, #tpu.memory_space<vmem>>
        %dma_wait3A_133 = arith.constant 0 : i32
        %dma_wait3A_134 = arith.constant 0 : i32
        %dma_wait3A_135 = tpu.memref_slice %arg10[%dma_wait3A_133, %dma_wait3A_134] : memref<10240x128xf32, #tpu.memory_space<vmem_shared>> -> memref<10240x128xf32, #tpu.memory_space<vmem_shared>>
        tpu.wait_indirect_dma semaphore(%run_scoped3A_123 : memref<!tpu.dma_semaphore, #tpu.memory_space<semaphore_mem>>) src(%arg9 : memref<128x128xf32, #tpu.memory_space<vmem>>) dst(%dma_wait3A_135 : memref<10240x128xf32, #tpu.memory_space<vmem_shared>>)
        tpu.yield
      }) : () -> ()
      %add3A_116 = arith.constant 7 : i32
      %add3A_117 = arith.addi %mul3A_32, %add3A_116 : i32
      %lt3A_118 = arith.constant 80 : i32
      %lt3A_119 = arith.cmpi slt, %add3A_117, %lt3A_118 : i32
      %convert_element_type3A_120 = arith.extui %lt3A_119 : i1 to i32
      %cond3A_121 = arith.constant 0 : i32
      %cond3A_122 = arith.cmpi ne, %convert_element_type3A_120, %cond3A_121 : i32
      scf.if %cond3A_122 {
        %add3A_123 = arith.constant 6 : i32
        %add3A_124 = arith.addi %mul3A_32, %add3A_123 : i32
        %dma_start3A_125 = arith.constant 0 : i32
        %dma_start3A_126 = arith.constant 0 : i32
        %dma_start3A_127 = tpu.memref_slice %arg2[%add3A, %add3A_124, %dma_start3A_125, %dma_start3A_126] : memref<32x80x2x128xi32, #tpu.memory_space<hbm>> -> memref<1x2x2x128xi32, #tpu.memory_space<hbm>>
        %dma_start3A_128 = tpu.memref_squeeze %dma_start3A_127 : memref<1x2x2x128xi32, #tpu.memory_space<hbm>> -> memref<2x2x128xi32, #tpu.memory_space<hbm>>
        %dma_start3A_129 = arith.constant 0 : i32
        %dma_start3A_130 = arith.constant 0 : i32
        %dma_start3A_131 = tpu.memref_slice %arg2[%add3A, %add3A_124, %dma_start3A_129, %dma_start3A_130] : memref<32x80x2x128xi32, #tpu.memory_space<hbm>> -> memref<1x2x2x128xi32, #tpu.memory_space<hbm>>
        %dma_start3A_132 = tpu.memref_squeeze %dma_start3A_131 : memref<1x2x2x128xi32, #tpu.memory_space<hbm>> -> memref<2x2x128xi32, #tpu.memory_space<hbm>>
        tpu.enqueue_dma source(%dma_start3A_132 : memref<2x2x128xi32, #tpu.memory_space<hbm>>) target(%arg7 : memref<2x2x128xi32, #tpu.memory_space<vmem>>) target_semaphore(%arg14 : memref<!tpu.dma_semaphore, #tpu.memory_space<semaphore_mem>>)
      } else {
      }
    }
    %scan3A_24 = arith.constant 20 : i32
    %barrier3A_25 = arith.constant 0 : index
    tpu.barrier barrier_id(%barrier3A_25)
    %mul3A_26 = arith.constant 640 : i32
    %mul3A_27 = arith.muli %arg1, %mul3A_26 : i32
    %mul3A_28 = arith.constant 640 : i32
    %mul3A_29 = arith.muli %arg1, %mul3A_28 : i32
    "tpu.region"() ({
      %run_scoped3A = tpu.sem_alloc : memref<!tpu.dma_semaphore, #tpu.memory_space<semaphore_mem>>
      %dma_start3A_30 = arith.constant 0 : i32
      %dma_start3A_31 = tpu.memref_slice %arg5[%arg0, %mul3A_29, %dma_start3A_30] : memref<2x10240x128xf32, #tpu.memory_space<hbm>> -> memref<1x640x128xf32, #tpu.memory_space<hbm>>
      %dma_start3A_32 = tpu.memref_squeeze %dma_start3A_31 : memref<1x640x128xf32, #tpu.memory_space<hbm>> -> memref<640x128xf32, #tpu.memory_space<hbm>>
      %dma_start3A_33 = arith.constant 0 : i32
      %dma_start3A_34 = tpu.memref_slice %arg10[%mul3A_27, %dma_start3A_33] : memref<10240x128xf32, #tpu.memory_space<vmem_shared>> -> memref<640x128xf32, #tpu.memory_space<vmem_shared>>
      tpu.enqueue_dma source(%dma_start3A_34 : memref<640x128xf32, #tpu.memory_space<vmem_shared>>) target(%dma_start3A_32 : memref<640x128xf32, #tpu.memory_space<hbm>>) target_semaphore(%run_scoped3A : memref<!tpu.dma_semaphore, #tpu.memory_space<semaphore_mem>>)
      %dma_wait3A = arith.constant 0 : i32
      %dma_wait3A_35 = tpu.memref_slice %arg5[%arg0, %mul3A_29, %dma_wait3A] : memref<2x10240x128xf32, #tpu.memory_space<hbm>> -> memref<1x640x128xf32, #tpu.memory_space<hbm>>
      %dma_wait3A_36 = tpu.memref_squeeze %dma_wait3A_35 : memref<1x640x128xf32, #tpu.memory_space<hbm>> -> memref<640x128xf32, #tpu.memory_space<hbm>>
      %dma_wait3A_37 = arith.constant 0 : i32
      %dma_wait3A_38 = tpu.memref_slice %arg10[%mul3A_27, %dma_wait3A_37] : memref<10240x128xf32, #tpu.memory_space<vmem_shared>> -> memref<640x128xf32, #tpu.memory_space<vmem_shared>>
      tpu.wait_dma2 semaphore(%run_scoped3A : memref<!tpu.dma_semaphore, #tpu.memory_space<semaphore_mem>>) src(%dma_wait3A_38 : memref<640x128xf32, #tpu.memory_space<vmem_shared>>) dst(%dma_wait3A_36 : memref<640x128xf32, #tpu.memory_space<hbm>>)
      tpu.yield
    }) : () -> ()
    return
  }
}

#map = affine_map<(d0, d1) -> (0, 0, 0, 0)>
#map1 = affine_map<(d0, d1) -> (0, 0)>
#map2 = affine_map<(d0, d1) -> (0, 0, 0)>
module attributes {stable_mosaic.version = 14 : i64} {
  func.func @_sc_conv(%arg0: i32, %arg1: i32, %arg2: memref<32x80x2x128xi32, #tpu.memory_space<hbm>>, %arg3: memref<10000x128xf32, #tpu.memory_space<hbm>>, %arg4: memref<640x128xf32, #tpu.memory_space<hbm>>, %arg5: memref<2x10240x128xf32, #tpu.memory_space<hbm>>, %arg6: memref<2x2x128xi32, #tpu.memory_space<vmem>>, %arg7: memref<2x2x128xi32, #tpu.memory_space<vmem>>, %arg8: memref<128x128xf32, #tpu.memory_space<vmem>>, %arg9: memref<128x128xf32, #tpu.memory_space<vmem>>, %arg10: memref<10240x128xf32, #tpu.memory_space<vmem_shared>>, %arg11: memref<!tpu.dma_semaphore, #tpu.memory_space<semaphore_mem>>, %arg12: memref<!tpu.dma_semaphore, #tpu.memory_space<semaphore_mem>>, %arg13: memref<!tpu.dma_semaphore, #tpu.memory_space<semaphore_mem>>, %arg14: memref<!tpu.dma_semaphore, #tpu.memory_space<semaphore_mem>>) attributes {dimension_semantics = [#tpu.dimension_semantics<core_parallel>, #tpu.dimension_semantics<subcore_parallel>], iteration_bounds = array<i64: 2, 16>, scalar_prefetch = 0 : i64, scratch_operands = 9 : i64, tpu.core_type = #tpu.core_type<sc_vector_subcore>, window_params = [{transform_indices = #map}, {transform_indices = #map1}, {transform_indices = #map1}, {transform_indices = #map2}]} {
    %mul3A = arith.constant 16 : i32
    %mul3A_0 = arith.muli %arg0, %mul3A : i32
    %add3A = arith.addi %mul3A_0, %arg1 : i32
    %mul3A_1 = arith.constant 640 : i32
    %mul3A_2 = arith.muli %arg1, %mul3A_1 : i32
    "tpu.region"() ({
      %run_scoped3A = tpu.sem_alloc : memref<!tpu.dma_semaphore, #tpu.memory_space<semaphore_mem>>
      %dma_start3A_30 = arith.constant 0 : i32
      %dma_start3A_31 = tpu.memref_slice %arg10[%mul3A_2, %dma_start3A_30] : memref<10240x128xf32, #tpu.memory_space<vmem_shared>> -> memref<640x128xf32, #tpu.memory_space<vmem_shared>>
      tpu.enqueue_dma source(%arg4 : memref<640x128xf32, #tpu.memory_space<hbm>>) target(%dma_start3A_31 : memref<640x128xf32, #tpu.memory_space<vmem_shared>>) target_semaphore(%run_scoped3A : memref<!tpu.dma_semaphore, #tpu.memory_space<semaphore_mem>>)
      %dma_wait3A = arith.constant 0 : i32
      %dma_wait3A_32 = tpu.memref_slice %arg10[%mul3A_2, %dma_wait3A] : memref<10240x128xf32, #tpu.memory_space<vmem_shared>> -> memref<640x128xf32, #tpu.memory_space<vmem_shared>>
      tpu.wait_dma2 semaphore(%run_scoped3A : memref<!tpu.dma_semaphore, #tpu.memory_space<semaphore_mem>>) src(%arg4 : memref<640x128xf32, #tpu.memory_space<hbm>>) dst(%dma_wait3A_32 : memref<640x128xf32, #tpu.memory_space<vmem_shared>>)
      tpu.yield
    }) : () -> ()
    %barrier3A = arith.constant 0 : index
    tpu.barrier barrier_id(%barrier3A)
    "tpu.region"() ({
      %run_scoped3A = tpu.sem_alloc : memref<!tpu.dma_semaphore, #tpu.memory_space<semaphore_mem>>
      %dma_start3A_30 = arith.constant 0 : i32
      %dma_start3A_31 = arith.constant 0 : i32
      %dma_start3A_32 = arith.constant 0 : i32
      %dma_start3A_33 = tpu.memref_slice %arg2[%add3A, %dma_start3A_30, %dma_start3A_31, %dma_start3A_32] : memref<32x80x2x128xi32, #tpu.memory_space<hbm>> -> memref<1x2x2x128xi32, #tpu.memory_space<hbm>>
      %dma_start3A_34 = tpu.memref_squeeze %dma_start3A_33 : memref<1x2x2x128xi32, #tpu.memory_space<hbm>> -> memref<2x2x128xi32, #tpu.memory_space<hbm>>
      %dma_start3A_35 = arith.constant 0 : i32
      %dma_start3A_36 = arith.constant 0 : i32
      %dma_start3A_37 = arith.constant 0 : i32
      %dma_start3A_38 = tpu.memref_slice %arg2[%add3A, %dma_start3A_35, %dma_start3A_36, %dma_start3A_37] : memref<32x80x2x128xi32, #tpu.memory_space<hbm>> -> memref<1x2x2x128xi32, #tpu.memory_space<hbm>>
      %dma_start3A_39 = tpu.memref_squeeze %dma_start3A_38 : memref<1x2x2x128xi32, #tpu.memory_space<hbm>> -> memref<2x2x128xi32, #tpu.memory_space<hbm>>
      tpu.enqueue_dma source(%dma_start3A_39 : memref<2x2x128xi32, #tpu.memory_space<hbm>>) target(%arg6 : memref<2x2x128xi32, #tpu.memory_space<vmem>>) target_semaphore(%run_scoped3A : memref<!tpu.dma_semaphore, #tpu.memory_space<semaphore_mem>>)
      %dma_wait3A = arith.constant 0 : i32
      %dma_wait3A_40 = arith.constant 0 : i32
      %dma_wait3A_41 = arith.constant 0 : i32
      %dma_wait3A_42 = tpu.memref_slice %arg2[%add3A, %dma_wait3A, %dma_wait3A_40, %dma_wait3A_41] : memref<32x80x2x128xi32, #tpu.memory_space<hbm>> -> memref<1x2x2x128xi32, #tpu.memory_space<hbm>>
      %dma_wait3A_43 = tpu.memref_squeeze %dma_wait3A_42 : memref<1x2x2x128xi32, #tpu.memory_space<hbm>> -> memref<2x2x128xi32, #tpu.memory_space<hbm>>
      %dma_wait3A_44 = arith.constant 0 : i32
      %dma_wait3A_45 = arith.constant 0 : i32
      %dma_wait3A_46 = arith.constant 0 : i32
      %dma_wait3A_47 = tpu.memref_slice %arg2[%add3A, %dma_wait3A_44, %dma_wait3A_45, %dma_wait3A_46] : memref<32x80x2x128xi32, #tpu.memory_space<hbm>> -> memref<1x2x2x128xi32, #tpu.memory_space<hbm>>
      %dma_wait3A_48 = tpu.memref_squeeze %dma_wait3A_47 : memref<1x2x2x128xi32, #tpu.memory_space<hbm>> -> memref<2x2x128xi32, #tpu.memory_space<hbm>>
      tpu.wait_dma2 semaphore(%run_scoped3A : memref<!tpu.dma_semaphore, #tpu.memory_space<semaphore_mem>>) src(%dma_wait3A_48 : memref<2x2x128xi32, #tpu.memory_space<hbm>>) dst(%arg6 : memref<2x2x128xi32, #tpu.memory_space<vmem>>)
      tpu.yield
    }) : () -> ()
    %dma_start3A = arith.constant 2 : i32
    %dma_start3A_3 = arith.constant 0 : i32
    %dma_start3A_4 = arith.constant 0 : i32
    %dma_start3A_5 = tpu.memref_slice %arg2[%add3A, %dma_start3A, %dma_start3A_3, %dma_start3A_4] : memref<32x80x2x128xi32, #tpu.memory_space<hbm>> -> memref<1x2x2x128xi32, #tpu.memory_space<hbm>>
    %dma_start3A_6 = tpu.memref_squeeze %dma_start3A_5 : memref<1x2x2x128xi32, #tpu.memory_space<hbm>> -> memref<2x2x128xi32, #tpu.memory_space<hbm>>
    %dma_start3A_7 = arith.constant 2 : i32
    %dma_start3A_8 = arith.constant 0 : i32
    %dma_start3A_9 = arith.constant 0 : i32
    %dma_start3A_10 = tpu.memref_slice %arg2[%add3A, %dma_start3A_7, %dma_start3A_8, %dma_start3A_9] : memref<32x80x2x128xi32, #tpu.memory_space<hbm>> -> memref<1x2x2x128xi32, #tpu.memory_space<hbm>>
    %dma_start3A_11 = tpu.memref_squeeze %dma_start3A_10 : memref<1x2x2x128xi32, #tpu.memory_space<hbm>> -> memref<2x2x128xi32, #tpu.memory_space<hbm>>
    tpu.enqueue_dma source(%dma_start3A_11 : memref<2x2x128xi32, #tpu.memory_space<hbm>>) target(%arg7 : memref<2x2x128xi32, #tpu.memory_space<vmem>>) target_semaphore(%arg14 : memref<!tpu.dma_semaphore, #tpu.memory_space<semaphore_mem>>)
    %dma_start3A_12 = arith.constant 0 : i32
    %dma_start3A_13 = arith.constant 0 : i32
    %dma_start3A_14 = arith.constant 0 : i32
    %dma_start3A_15 = tpu.memref_slice %arg6[%dma_start3A_12, %dma_start3A_13, %dma_start3A_14] : memref<2x2x128xi32, #tpu.memory_space<vmem>> -> memref<1x1x128xi32, #tpu.memory_space<vmem>>
    %dma_start3A_16 = tpu.memref_squeeze %dma_start3A_15 : memref<1x1x128xi32, #tpu.memory_space<vmem>> -> memref<128xi32, #tpu.memory_space<vmem>>
    %dma_start3A_17 = arith.constant 0 : i32
    %dma_start3A_18 = arith.constant 0 : i32
    %dma_start3A_19 = tpu.memref_slice %arg3[%dma_start3A_17, %dma_start3A_18] : memref<10000x128xf32, #tpu.memory_space<hbm>> -> memref<10000x128xf32, #tpu.memory_space<hbm>>
    tpu.enqueue_indirect_dma source(%dma_start3A_19 : memref<10000x128xf32, #tpu.memory_space<hbm>>) target(%arg8 : memref<128x128xf32, #tpu.memory_space<vmem>>) offsets(%dma_start3A_16 : memref<128xi32, #tpu.memory_space<vmem>>) semaphore(%arg11 : memref<!tpu.dma_semaphore, #tpu.memory_space<semaphore_mem>>)
    %scan3A = arith.constant 0 : i32
    %scan3A_20 = arith.constant 0 : i32
    %scan3A_21 = arith.constant 20 : i32
    %scan3A_22 = arith.addi %scan3A_20, %scan3A_21 : i32
    %scan3A_23 = arith.constant 1 : i32
    scf.for %scan3A_30 = %scan3A_20 to %scan3A_22 step %scan3A_23  : i32 {
      %mul3A_31 = arith.constant 4 : i32
      %mul3A_32 = arith.muli %mul3A_31, %scan3A_30 : i32
      %dma_start3A_33 = arith.constant 1 : i32
      %dma_start3A_34 = arith.constant 0 : i32
      %dma_start3A_35 = arith.constant 0 : i32
      %dma_start3A_36 = tpu.memref_slice %arg6[%dma_start3A_33, %dma_start3A_34, %dma_start3A_35] : memref<2x2x128xi32, #tpu.memory_space<vmem>> -> memref<1x1x128xi32, #tpu.memory_space<vmem>>
      %dma_start3A_37 = tpu.memref_squeeze %dma_start3A_36 : memref<1x1x128xi32, #tpu.memory_space<vmem>> -> memref<128xi32, #tpu.memory_space<vmem>>
      %dma_start3A_38 = arith.constant 0 : i32
      %dma_start3A_39 = arith.constant 0 : i32
      %dma_start3A_40 = tpu.memref_slice %arg3[%dma_start3A_38, %dma_start3A_39] : memref<10000x128xf32, #tpu.memory_space<hbm>> -> memref<10000x128xf32, #tpu.memory_space<hbm>>
      tpu.enqueue_indirect_dma source(%dma_start3A_40 : memref<10000x128xf32, #tpu.memory_space<hbm>>) target(%arg9 : memref<128x128xf32, #tpu.memory_space<vmem>>) offsets(%dma_start3A_37 : memref<128xi32, #tpu.memory_space<vmem>>) semaphore(%arg12 : memref<!tpu.dma_semaphore, #tpu.memory_space<semaphore_mem>>)
      %dma_wait3A = arith.constant 0 : i32
      %dma_wait3A_41 = arith.constant 0 : i32
      %dma_wait3A_42 = arith.constant 0 : i32
      %dma_wait3A_43 = tpu.memref_slice %arg6[%dma_wait3A, %dma_wait3A_41, %dma_wait3A_42] : memref<2x2x128xi32, #tpu.memory_space<vmem>> -> memref<1x1x128xi32, #tpu.memory_space<vmem>>
      %dma_wait3A_44 = tpu.memref_squeeze %dma_wait3A_43 : memref<1x1x128xi32, #tpu.memory_space<vmem>> -> memref<128xi32, #tpu.memory_space<vmem>>
      %dma_wait3A_45 = arith.constant 0 : i32
      %dma_wait3A_46 = arith.constant 0 : i32
      %dma_wait3A_47 = tpu.memref_slice %arg3[%dma_wait3A_45, %dma_wait3A_46] : memref<10000x128xf32, #tpu.memory_space<hbm>> -> memref<10000x128xf32, #tpu.memory_space<hbm>>
      tpu.wait_indirect_dma semaphore(%arg11 : memref<!tpu.dma_semaphore, #tpu.memory_space<semaphore_mem>>) src(%dma_wait3A_47 : memref<10000x128xf32, #tpu.memory_space<hbm>>) dst(%arg8 : memref<128x128xf32, #tpu.memory_space<vmem>>)
      %run_scoped3A = arith.constant 0 : i32
      %run_scoped3A_48 = arith.constant 1 : i32
      "tpu.region"() ({
        %run_scoped3A_123 = tpu.sem_alloc : memref<!tpu.dma_semaphore, #tpu.memory_space<semaphore_mem>>
        %dma_start3A_124 = arith.constant 0 : i32
        %dma_start3A_125 = tpu.memref_slice %arg6[%run_scoped3A, %run_scoped3A_48, %dma_start3A_124] : memref<2x2x128xi32, #tpu.memory_space<vmem>> -> memref<1x1x128xi32, #tpu.memory_space<vmem>>
        %dma_start3A_126 = tpu.memref_squeeze %dma_start3A_125 : memref<1x1x128xi32, #tpu.memory_space<vmem>> -> memref<128xi32, #tpu.memory_space<vmem>>
        %dma_start3A_127 = arith.constant 0 : i32
        %dma_start3A_128 = arith.constant 0 : i32
        %dma_start3A_129 = tpu.memref_slice %arg10[%dma_start3A_127, %dma_start3A_128] : memref<10240x128xf32, #tpu.memory_space<vmem_shared>> -> memref<10240x128xf32, #tpu.memory_space<vmem_shared>>
        tpu.enqueue_indirect_dma source(%arg8 : memref<128x128xf32, #tpu.memory_space<vmem>>) target(%dma_start3A_129 : memref<10240x128xf32, #tpu.memory_space<vmem_shared>>) offsets(%dma_start3A_126 : memref<128xi32, #tpu.memory_space<vmem>>) semaphore(%run_scoped3A_123 : memref<!tpu.dma_semaphore, #tpu.memory_space<semaphore_mem>>) {add = true}
        %dma_wait3A_130 = arith.constant 0 : i32
        %dma_wait3A_131 = tpu.memref_slice %arg6[%run_scoped3A, %run_scoped3A_48, %dma_wait3A_130] : memref<2x2x128xi32, #tpu.memory_space<vmem>> -> memref<1x1x128xi32, #tpu.memory_space<vmem>>
        %dma_wait3A_132 = tpu.memref_squeeze %dma_wait3A_131 : memref<1x1x128xi32, #tpu.memory_space<vmem>> -> memref<128xi32, #tpu.memory_space<vmem>>
        %dma_wait3A_133 = arith.constant 0 : i32
        %dma_wait3A_134 = arith.constant 0 : i32
        %dma_wait3A_135 = tpu.memref_slice %arg10[%dma_wait3A_133, %dma_wait3A_134] : memref<10240x128xf32, #tpu.memory_space<vmem_shared>> -> memref<10240x128xf32, #tpu.memory_space<vmem_shared>>
        tpu.wait_indirect_dma semaphore(%run_scoped3A_123 : memref<!tpu.dma_semaphore, #tpu.memory_space<semaphore_mem>>) src(%arg8 : memref<128x128xf32, #tpu.memory_space<vmem>>) dst(%dma_wait3A_135 : memref<10240x128xf32, #tpu.memory_space<vmem_shared>>)
        tpu.yield
      }) : () -> ()
      %add3A_49 = arith.constant 2 : i32
      %add3A_50 = arith.addi %mul3A_32, %add3A_49 : i32
      %dma_wait3A_51 = arith.constant 0 : i32
      %dma_wait3A_52 = arith.constant 0 : i32
      %dma_wait3A_53 = tpu.memref_slice %arg2[%add3A, %add3A_50, %dma_wait3A_51, %dma_wait3A_52] : memref<32x80x2x128xi32, #tpu.memory_space<hbm>> -> memref<1x2x2x128xi32, #tpu.memory_space<hbm>>
      %dma_wait3A_54 = tpu.memref_squeeze %dma_wait3A_53 : memref<1x2x2x128xi32, #tpu.memory_space<hbm>> -> memref<2x2x128xi32, #tpu.memory_space<hbm>>
      %dma_wait3A_55 = arith.constant 0 : i32
      %dma_wait3A_56 = arith.constant 0 : i32
      %dma_wait3A_57 = tpu.memref_slice %arg2[%add3A, %add3A_50, %dma_wait3A_55, %dma_wait3A_56] : memref<32x80x2x128xi32, #tpu.memory_space<hbm>> -> memref<1x2x2x128xi32, #tpu.memory_space<hbm>>
      %dma_wait3A_58 = tpu.memref_squeeze %dma_wait3A_57 : memref<1x2x2x128xi32, #tpu.memory_space<hbm>> -> memref<2x2x128xi32, #tpu.memory_space<hbm>>
      tpu.wait_dma2 semaphore(%arg14 : memref<!tpu.dma_semaphore, #tpu.memory_space<semaphore_mem>>) src(%dma_wait3A_58 : memref<2x2x128xi32, #tpu.memory_space<hbm>>) dst(%arg7 : memref<2x2x128xi32, #tpu.memory_space<vmem>>)
      %dma_start3A_59 = arith.constant 0 : i32
      %dma_start3A_60 = arith.constant 0 : i32
      %dma_start3A_61 = arith.constant 0 : i32
      %dma_start3A_62 = tpu.memref_slice %arg7[%dma_start3A_59, %dma_start3A_60, %dma_start3A_61] : memref<2x2x128xi32, #tpu.memory_space<vmem>> -> memref<1x1x128xi32, #tpu.memory_space<vmem>>
      %dma_start3A_63 = tpu.memref_squeeze %dma_start3A_62 : memref<1x1x128xi32, #tpu.memory_space<vmem>> -> memref<128xi32, #tpu.memory_space<vmem>>
      %dma_start3A_64 = arith.constant 0 : i32
      %dma_start3A_65 = arith.constant 0 : i32
      %dma_start3A_66 = tpu.memref_slice %arg3[%dma_start3A_64, %dma_start3A_65] : memref<10000x128xf32, #tpu.memory_space<hbm>> -> memref<10000x128xf32, #tpu.memory_space<hbm>>
      tpu.enqueue_indirect_dma source(%dma_start3A_66 : memref<10000x128xf32, #tpu.memory_space<hbm>>) target(%arg8 : memref<128x128xf32, #tpu.memory_space<vmem>>) offsets(%dma_start3A_63 : memref<128xi32, #tpu.memory_space<vmem>>) semaphore(%arg11 : memref<!tpu.dma_semaphore, #tpu.memory_space<semaphore_mem>>)
      %dma_wait3A_67 = arith.constant 1 : i32
      %dma_wait3A_68 = arith.constant 0 : i32
      %dma_wait3A_69 = arith.constant 0 : i32
      %dma_wait3A_70 = tpu.memref_slice %arg6[%dma_wait3A_67, %dma_wait3A_68, %dma_wait3A_69] : memref<2x2x128xi32, #tpu.memory_space<vmem>> -> memref<1x1x128xi32, #tpu.memory_space<vmem>>
      %dma_wait3A_71 = tpu.memref_squeeze %dma_wait3A_70 : memref<1x1x128xi32, #tpu.memory_space<vmem>> -> memref<128xi32, #tpu.memory_space<vmem>>
      %dma_wait3A_72 = arith.constant 0 : i32
      %dma_wait3A_73 = arith.constant 0 : i32
      %dma_wait3A_74 = tpu.memref_slice %arg3[%dma_wait3A_72, %dma_wait3A_73] : memref<10000x128xf32, #tpu.memory_space<hbm>> -> memref<10000x128xf32, #tpu.memory_space<hbm>>
      tpu.wait_indirect_dma semaphore(%arg12 : memref<!tpu.dma_semaphore, #tpu.memory_space<semaphore_mem>>) src(%dma_wait3A_74 : memref<10000x128xf32, #tpu.memory_space<hbm>>) dst(%arg9 : memref<128x128xf32, #tpu.memory_space<vmem>>)
      %run_scoped3A_75 = arith.constant 1 : i32
      %run_scoped3A_76 = arith.constant 1 : i32
      "tpu.region"() ({
        %run_scoped3A_123 = tpu.sem_alloc : memref<!tpu.dma_semaphore, #tpu.memory_space<semaphore_mem>>
        %dma_start3A_124 = arith.constant 0 : i32
        %dma_start3A_125 = tpu.memref_slice %arg6[%run_scoped3A_75, %run_scoped3A_76, %dma_start3A_124] : memref<2x2x128xi32, #tpu.memory_space<vmem>> -> memref<1x1x128xi32, #tpu.memory_space<vmem>>
        %dma_start3A_126 = tpu.memref_squeeze %dma_start3A_125 : memref<1x1x128xi32, #tpu.memory_space<vmem>> -> memref<128xi32, #tpu.memory_space<vmem>>
        %dma_start3A_127 = arith.constant 0 : i32
        %dma_start3A_128 = arith.constant 0 : i32
        %dma_start3A_129 = tpu.memref_slice %arg10[%dma_start3A_127, %dma_start3A_128] : memref<10240x128xf32, #tpu.memory_space<vmem_shared>> -> memref<10240x128xf32, #tpu.memory_space<vmem_shared>>
        tpu.enqueue_indirect_dma source(%arg9 : memref<128x128xf32, #tpu.memory_space<vmem>>) target(%dma_start3A_129 : memref<10240x128xf32, #tpu.memory_space<vmem_shared>>) offsets(%dma_start3A_126 : memref<128xi32, #tpu.memory_space<vmem>>) semaphore(%run_scoped3A_123 : memref<!tpu.dma_semaphore, #tpu.memory_space<semaphore_mem>>) {add = true}
        %dma_wait3A_130 = arith.constant 0 : i32
        %dma_wait3A_131 = tpu.memref_slice %arg6[%run_scoped3A_75, %run_scoped3A_76, %dma_wait3A_130] : memref<2x2x128xi32, #tpu.memory_space<vmem>> -> memref<1x1x128xi32, #tpu.memory_space<vmem>>
        %dma_wait3A_132 = tpu.memref_squeeze %dma_wait3A_131 : memref<1x1x128xi32, #tpu.memory_space<vmem>> -> memref<128xi32, #tpu.memory_space<vmem>>
        %dma_wait3A_133 = arith.constant 0 : i32
        %dma_wait3A_134 = arith.constant 0 : i32
        %dma_wait3A_135 = tpu.memref_slice %arg10[%dma_wait3A_133, %dma_wait3A_134] : memref<10240x128xf32, #tpu.memory_space<vmem_shared>> -> memref<10240x128xf32, #tpu.memory_space<vmem_shared>>
        tpu.wait_indirect_dma semaphore(%run_scoped3A_123 : memref<!tpu.dma_semaphore, #tpu.memory_space<semaphore_mem>>) src(%arg9 : memref<128x128xf32, #tpu.memory_space<vmem>>) dst(%dma_wait3A_135 : memref<10240x128xf32, #tpu.memory_space<vmem_shared>>)
        tpu.yield
      }) : () -> ()
      %add3A_77 = arith.constant 5 : i32
      %add3A_78 = arith.addi %mul3A_32, %add3A_77 : i32
      %lt3A = arith.constant 80 : i32
      %lt3A_79 = arith.cmpi slt, %add3A_78, %lt3A : i32
      %convert_element_type3A = arith.extui %lt3A_79 : i1 to i32
      %cond3A = arith.constant 0 : i32
      %cond3A_80 = arith.cmpi ne, %convert_element_type3A, %cond3A : i32
      scf.if %cond3A_80 {
        %add3A_123 = arith.constant 4 : i32
        %add3A_124 = arith.addi %mul3A_32, %add3A_123 : i32
        %dma_start3A_125 = arith.constant 0 : i32
        %dma_start3A_126 = arith.constant 0 : i32
        %dma_start3A_127 = tpu.memref_slice %arg2[%add3A, %add3A_124, %dma_start3A_125, %dma_start3A_126] : memref<32x80x2x128xi32, #tpu.memory_space<hbm>> -> memref<1x2x2x128xi32, #tpu.memory_space<hbm>>
        %dma_start3A_128 = tpu.memref_squeeze %dma_start3A_127 : memref<1x2x2x128xi32, #tpu.memory_space<hbm>> -> memref<2x2x128xi32, #tpu.memory_space<hbm>>
        %dma_start3A_129 = arith.constant 0 : i32
        %dma_start3A_130 = arith.constant 0 : i32
        %dma_start3A_131 = tpu.memref_slice %arg2[%add3A, %add3A_124, %dma_start3A_129, %dma_start3A_130] : memref<32x80x2x128xi32, #tpu.memory_space<hbm>> -> memref<1x2x2x128xi32, #tpu.memory_space<hbm>>
        %dma_start3A_132 = tpu.memref_squeeze %dma_start3A_131 : memref<1x2x2x128xi32, #tpu.memory_space<hbm>> -> memref<2x2x128xi32, #tpu.memory_space<hbm>>
        tpu.enqueue_dma source(%dma_start3A_132 : memref<2x2x128xi32, #tpu.memory_space<hbm>>) target(%arg6 : memref<2x2x128xi32, #tpu.memory_space<vmem>>) target_semaphore(%arg13 : memref<!tpu.dma_semaphore, #tpu.memory_space<semaphore_mem>>)
      } else {
      }
      %dma_start3A_81 = arith.constant 1 : i32
      %dma_start3A_82 = arith.constant 0 : i32
      %dma_start3A_83 = arith.constant 0 : i32
      %dma_start3A_84 = tpu.memref_slice %arg7[%dma_start3A_81, %dma_start3A_82, %dma_start3A_83] : memref<2x2x128xi32, #tpu.memory_space<vmem>> -> memref<1x1x128xi32, #tpu.memory_space<vmem>>
      %dma_start3A_85 = tpu.memref_squeeze %dma_start3A_84 : memref<1x1x128xi32, #tpu.memory_space<vmem>> -> memref<128xi32, #tpu.memory_space<vmem>>
      %dma_start3A_86 = arith.constant 0 : i32
      %dma_start3A_87 = arith.constant 0 : i32
      %dma_start3A_88 = tpu.memref_slice %arg3[%dma_start3A_86, %dma_start3A_87] : memref<10000x128xf32, #tpu.memory_space<hbm>> -> memref<10000x128xf32, #tpu.memory_space<hbm>>
      tpu.enqueue_indirect_dma source(%dma_start3A_88 : memref<10000x128xf32, #tpu.memory_space<hbm>>) target(%arg9 : memref<128x128xf32, #tpu.memory_space<vmem>>) offsets(%dma_start3A_85 : memref<128xi32, #tpu.memory_space<vmem>>) semaphore(%arg12 : memref<!tpu.dma_semaphore, #tpu.memory_space<semaphore_mem>>)
      %dma_wait3A_89 = arith.constant 0 : i32
      %dma_wait3A_90 = arith.constant 0 : i32
      %dma_wait3A_91 = arith.constant 0 : i32
      %dma_wait3A_92 = tpu.memref_slice %arg7[%dma_wait3A_89, %dma_wait3A_90, %dma_wait3A_91] : memref<2x2x128xi32, #tpu.memory_space<vmem>> -> memref<1x1x128xi32, #tpu.memory_space<vmem>>
      %dma_wait3A_93 = tpu.memref_squeeze %dma_wait3A_92 : memref<1x1x128xi32, #tpu.memory_space<vmem>> -> memref<128xi32, #tpu.memory_space<vmem>>
      %dma_wait3A_94 = arith.constant 0 : i32
      %dma_wait3A_95 = arith.constant 0 : i32
      %dma_wait3A_96 = tpu.memref_slice %arg3[%dma_wait3A_94, %dma_wait3A_95] : memref<10000x128xf32, #tpu.memory_space<hbm>> -> memref<10000x128xf32, #tpu.memory_space<hbm>>
      tpu.wait_indirect_dma semaphore(%arg11 : memref<!tpu.dma_semaphore, #tpu.memory_space<semaphore_mem>>) src(%dma_wait3A_96 : memref<10000x128xf32, #tpu.memory_space<hbm>>) dst(%arg8 : memref<128x128xf32, #tpu.memory_space<vmem>>)
      %run_scoped3A_97 = arith.constant 0 : i32
      %run_scoped3A_98 = arith.constant 1 : i32
      "tpu.region"() ({
        %run_scoped3A_123 = tpu.sem_alloc : memref<!tpu.dma_semaphore, #tpu.memory_space<semaphore_mem>>
        %dma_start3A_124 = arith.constant 0 : i32
        %dma_start3A_125 = tpu.memref_slice %arg7[%run_scoped3A_97, %run_scoped3A_98, %dma_start3A_124] : memref<2x2x128xi32, #tpu.memory_space<vmem>> -> memref<1x1x128xi32, #tpu.memory_space<vmem>>
        %dma_start3A_126 = tpu.memref_squeeze %dma_start3A_125 : memref<1x1x128xi32, #tpu.memory_space<vmem>> -> memref<128xi32, #tpu.memory_space<vmem>>
        %dma_start3A_127 = arith.constant 0 : i32
        %dma_start3A_128 = arith.constant 0 : i32
        %dma_start3A_129 = tpu.memref_slice %arg10[%dma_start3A_127, %dma_start3A_128] : memref<10240x128xf32, #tpu.memory_space<vmem_shared>> -> memref<10240x128xf32, #tpu.memory_space<vmem_shared>>
        tpu.enqueue_indirect_dma source(%arg8 : memref<128x128xf32, #tpu.memory_space<vmem>>) target(%dma_start3A_129 : memref<10240x128xf32, #tpu.memory_space<vmem_shared>>) offsets(%dma_start3A_126 : memref<128xi32, #tpu.memory_space<vmem>>) semaphore(%run_scoped3A_123 : memref<!tpu.dma_semaphore, #tpu.memory_space<semaphore_mem>>) {add = true}
        %dma_wait3A_130 = arith.constant 0 : i32
        %dma_wait3A_131 = tpu.memref_slice %arg7[%run_scoped3A_97, %run_scoped3A_98, %dma_wait3A_130] : memref<2x2x128xi32, #tpu.memory_space<vmem>> -> memref<1x1x128xi32, #tpu.memory_space<vmem>>
        %dma_wait3A_132 = tpu.memref_squeeze %dma_wait3A_131 : memref<1x1x128xi32, #tpu.memory_space<vmem>> -> memref<128xi32, #tpu.memory_space<vmem>>
        %dma_wait3A_133 = arith.constant 0 : i32
        %dma_wait3A_134 = arith.constant 0 : i32
        %dma_wait3A_135 = tpu.memref_slice %arg10[%dma_wait3A_133, %dma_wait3A_134] : memref<10240x128xf32, #tpu.memory_space<vmem_shared>> -> memref<10240x128xf32, #tpu.memory_space<vmem_shared>>
        tpu.wait_indirect_dma semaphore(%run_scoped3A_123 : memref<!tpu.dma_semaphore, #tpu.memory_space<semaphore_mem>>) src(%arg8 : memref<128x128xf32, #tpu.memory_space<vmem>>) dst(%dma_wait3A_135 : memref<10240x128xf32, #tpu.memory_space<vmem_shared>>)
        tpu.yield
      }) : () -> ()
      %add3A_99 = arith.constant 5 : i32
      %add3A_100 = arith.addi %mul3A_32, %add3A_99 : i32
      %lt3A_101 = arith.constant 80 : i32
      %lt3A_102 = arith.cmpi slt, %add3A_100, %lt3A_101 : i32
      %convert_element_type3A_103 = arith.extui %lt3A_102 : i1 to i32
      %cond3A_104 = arith.constant 0 : i32
      %cond3A_105 = arith.cmpi ne, %convert_element_type3A_103, %cond3A_104 : i32
      scf.if %cond3A_105 {
        %add3A_123 = arith.constant 4 : i32
        %add3A_124 = arith.addi %mul3A_32, %add3A_123 : i32
        %dma_wait3A_125 = arith.constant 0 : i32
        %dma_wait3A_126 = arith.constant 0 : i32
        %dma_wait3A_127 = tpu.memref_slice %arg2[%add3A, %add3A_124, %dma_wait3A_125, %dma_wait3A_126] : memref<32x80x2x128xi32, #tpu.memory_space<hbm>> -> memref<1x2x2x128xi32, #tpu.memory_space<hbm>>
        %dma_wait3A_128 = tpu.memref_squeeze %dma_wait3A_127 : memref<1x2x2x128xi32, #tpu.memory_space<hbm>> -> memref<2x2x128xi32, #tpu.memory_space<hbm>>
        %dma_wait3A_129 = arith.constant 0 : i32
        %dma_wait3A_130 = arith.constant 0 : i32
        %dma_wait3A_131 = tpu.memref_slice %arg2[%add3A, %add3A_124, %dma_wait3A_129, %dma_wait3A_130] : memref<32x80x2x128xi32, #tpu.memory_space<hbm>> -> memref<1x2x2x128xi32, #tpu.memory_space<hbm>>
        %dma_wait3A_132 = tpu.memref_squeeze %dma_wait3A_131 : memref<1x2x2x128xi32, #tpu.memory_space<hbm>> -> memref<2x2x128xi32, #tpu.memory_space<hbm>>
        tpu.wait_dma2 semaphore(%arg13 : memref<!tpu.dma_semaphore, #tpu.memory_space<semaphore_mem>>) src(%dma_wait3A_132 : memref<2x2x128xi32, #tpu.memory_space<hbm>>) dst(%arg6 : memref<2x2x128xi32, #tpu.memory_space<vmem>>)
        %dma_start3A_133 = arith.constant 0 : i32
        %dma_start3A_134 = arith.constant 0 : i32
        %dma_start3A_135 = arith.constant 0 : i32
        %dma_start3A_136 = tpu.memref_slice %arg6[%dma_start3A_133, %dma_start3A_134, %dma_start3A_135] : memref<2x2x128xi32, #tpu.memory_space<vmem>> -> memref<1x1x128xi32, #tpu.memory_space<vmem>>
        %dma_start3A_137 = tpu.memref_squeeze %dma_start3A_136 : memref<1x1x128xi32, #tpu.memory_space<vmem>> -> memref<128xi32, #tpu.memory_space<vmem>>
        %dma_start3A_138 = arith.constant 0 : i32
        %dma_start3A_139 = arith.constant 0 : i32
        %dma_start3A_140 = tpu.memref_slice %arg3[%dma_start3A_138, %dma_start3A_139] : memref<10000x128xf32, #tpu.memory_space<hbm>> -> memref<10000x128xf32, #tpu.memory_space<hbm>>
        tpu.enqueue_indirect_dma source(%dma_start3A_140 : memref<10000x128xf32, #tpu.memory_space<hbm>>) target(%arg8 : memref<128x128xf32, #tpu.memory_space<vmem>>) offsets(%dma_start3A_137 : memref<128xi32, #tpu.memory_space<vmem>>) semaphore(%arg11 : memref<!tpu.dma_semaphore, #tpu.memory_space<semaphore_mem>>)
      } else {
      }
      %dma_wait3A_106 = arith.constant 1 : i32
      %dma_wait3A_107 = arith.constant 0 : i32
      %dma_wait3A_108 = arith.constant 0 : i32
      %dma_wait3A_109 = tpu.memref_slice %arg7[%dma_wait3A_106, %dma_wait3A_107, %dma_wait3A_108] : memref<2x2x128xi32, #tpu.memory_space<vmem>> -> memref<1x1x128xi32, #tpu.memory_space<vmem>>
      %dma_wait3A_110 = tpu.memref_squeeze %dma_wait3A_109 : memref<1x1x128xi32, #tpu.memory_space<vmem>> -> memref<128xi32, #tpu.memory_space<vmem>>
      %dma_wait3A_111 = arith.constant 0 : i32
      %dma_wait3A_112 = arith.constant 0 : i32
      %dma_wait3A_113 = tpu.memref_slice %arg3[%dma_wait3A_111, %dma_wait3A_112] : memref<10000x128xf32, #tpu.memory_space<hbm>> -> memref<10000x128xf32, #tpu.memory_space<hbm>>
      tpu.wait_indirect_dma semaphore(%arg12 : memref<!tpu.dma_semaphore, #tpu.memory_space<semaphore_mem>>) src(%dma_wait3A_113 : memref<10000x128xf32, #tpu.memory_space<hbm>>) dst(%arg9 : memref<128x128xf32, #tpu.memory_space<vmem>>)
      %run_scoped3A_114 = arith.constant 1 : i32
      %run_scoped3A_115 = arith.constant 1 : i32
      "tpu.region"() ({
        %run_scoped3A_123 = tpu.sem_alloc : memref<!tpu.dma_semaphore, #tpu.memory_space<semaphore_mem>>
        %dma_start3A_124 = arith.constant 0 : i32
        %dma_start3A_125 = tpu.memref_slice %arg7[%run_scoped3A_114, %run_scoped3A_115, %dma_start3A_124] : memref<2x2x128xi32, #tpu.memory_space<vmem>> -> memref<1x1x128xi32, #tpu.memory_space<vmem>>
        %dma_start3A_126 = tpu.memref_squeeze %dma_start3A_125 : memref<1x1x128xi32, #tpu.memory_space<vmem>> -> memref<128xi32, #tpu.memory_space<vmem>>
        %dma_start3A_127 = arith.constant 0 : i32
        %dma_start3A_128 = arith.constant 0 : i32
        %dma_start3A_129 = tpu.memref_slice %arg10[%dma_start3A_127, %dma_start3A_128] : memref<10240x128xf32, #tpu.memory_space<vmem_shared>> -> memref<10240x128xf32, #tpu.memory_space<vmem_shared>>
        tpu.enqueue_indirect_dma source(%arg9 : memref<128x128xf32, #tpu.memory_space<vmem>>) target(%dma_start3A_129 : memref<10240x128xf32, #tpu.memory_space<vmem_shared>>) offsets(%dma_start3A_126 : memref<128xi32, #tpu.memory_space<vmem>>) semaphore(%run_scoped3A_123 : memref<!tpu.dma_semaphore, #tpu.memory_space<semaphore_mem>>) {add = true}
        %dma_wait3A_130 = arith.constant 0 : i32
        %dma_wait3A_131 = tpu.memref_slice %arg7[%run_scoped3A_114, %run_scoped3A_115, %dma_wait3A_130] : memref<2x2x128xi32, #tpu.memory_space<vmem>> -> memref<1x1x128xi32, #tpu.memory_space<vmem>>
        %dma_wait3A_132 = tpu.memref_squeeze %dma_wait3A_131 : memref<1x1x128xi32, #tpu.memory_space<vmem>> -> memref<128xi32, #tpu.memory_space<vmem>>
        %dma_wait3A_133 = arith.constant 0 : i32
        %dma_wait3A_134 = arith.constant 0 : i32
        %dma_wait3A_135 = tpu.memref_slice %arg10[%dma_wait3A_133, %dma_wait3A_134] : memref<10240x128xf32, #tpu.memory_space<vmem_shared>> -> memref<10240x128xf32, #tpu.memory_space<vmem_shared>>
        tpu.wait_indirect_dma semaphore(%run_scoped3A_123 : memref<!tpu.dma_semaphore, #tpu.memory_space<semaphore_mem>>) src(%arg9 : memref<128x128xf32, #tpu.memory_space<vmem>>) dst(%dma_wait3A_135 : memref<10240x128xf32, #tpu.memory_space<vmem_shared>>)
        tpu.yield
      }) : () -> ()
      %add3A_116 = arith.constant 7 : i32
      %add3A_117 = arith.addi %mul3A_32, %add3A_116 : i32
      %lt3A_118 = arith.constant 80 : i32
      %lt3A_119 = arith.cmpi slt, %add3A_117, %lt3A_118 : i32
      %convert_element_type3A_120 = arith.extui %lt3A_119 : i1 to i32
      %cond3A_121 = arith.constant 0 : i32
      %cond3A_122 = arith.cmpi ne, %convert_element_type3A_120, %cond3A_121 : i32
      scf.if %cond3A_122 {
        %add3A_123 = arith.constant 6 : i32
        %add3A_124 = arith.addi %mul3A_32, %add3A_123 : i32
        %dma_start3A_125 = arith.constant 0 : i32
        %dma_start3A_126 = arith.constant 0 : i32
        %dma_start3A_127 = tpu.memref_slice %arg2[%add3A, %add3A_124, %dma_start3A_125, %dma_start3A_126] : memref<32x80x2x128xi32, #tpu.memory_space<hbm>> -> memref<1x2x2x128xi32, #tpu.memory_space<hbm>>
        %dma_start3A_128 = tpu.memref_squeeze %dma_start3A_127 : memref<1x2x2x128xi32, #tpu.memory_space<hbm>> -> memref<2x2x128xi32, #tpu.memory_space<hbm>>
        %dma_start3A_129 = arith.constant 0 : i32
        %dma_start3A_130 = arith.constant 0 : i32
        %dma_start3A_131 = tpu.memref_slice %arg2[%add3A, %add3A_124, %dma_start3A_129, %dma_start3A_130] : memref<32x80x2x128xi32, #tpu.memory_space<hbm>> -> memref<1x2x2x128xi32, #tpu.memory_space<hbm>>
        %dma_start3A_132 = tpu.memref_squeeze %dma_start3A_131 : memref<1x2x2x128xi32, #tpu.memory_space<hbm>> -> memref<2x2x128xi32, #tpu.memory_space<hbm>>
        tpu.enqueue_dma source(%dma_start3A_132 : memref<2x2x128xi32, #tpu.memory_space<hbm>>) target(%arg7 : memref<2x2x128xi32, #tpu.memory_space<vmem>>) target_semaphore(%arg14 : memref<!tpu.dma_semaphore, #tpu.memory_space<semaphore_mem>>)
      } else {
      }
    }
    %scan3A_24 = arith.constant 20 : i32
    %barrier3A_25 = arith.constant 0 : index
    tpu.barrier barrier_id(%barrier3A_25)
    %mul3A_26 = arith.constant 640 : i32
    %mul3A_27 = arith.muli %arg1, %mul3A_26 : i32
    %mul3A_28 = arith.constant 640 : i32
    %mul3A_29 = arith.muli %arg1, %mul3A_28 : i32
    "tpu.region"() ({
      %run_scoped3A = tpu.sem_alloc : memref<!tpu.dma_semaphore, #tpu.memory_space<semaphore_mem>>
      %dma_start3A_30 = arith.constant 0 : i32
      %dma_start3A_31 = tpu.memref_slice %arg5[%arg0, %mul3A_29, %dma_start3A_30] : memref<2x10240x128xf32, #tpu.memory_space<hbm>> -> memref<1x640x128xf32, #tpu.memory_space<hbm>>
      %dma_start3A_32 = tpu.memref_squeeze %dma_start3A_31 : memref<1x640x128xf32, #tpu.memory_space<hbm>> -> memref<640x128xf32, #tpu.memory_space<hbm>>
      %dma_start3A_33 = arith.constant 0 : i32
      %dma_start3A_34 = tpu.memref_slice %arg10[%mul3A_27, %dma_start3A_33] : memref<10240x128xf32, #tpu.memory_space<vmem_shared>> -> memref<640x128xf32, #tpu.memory_space<vmem_shared>>
      tpu.enqueue_dma source(%dma_start3A_34 : memref<640x128xf32, #tpu.memory_space<vmem_shared>>) target(%dma_start3A_32 : memref<640x128xf32, #tpu.memory_space<hbm>>) target_semaphore(%run_scoped3A : memref<!tpu.dma_semaphore, #tpu.memory_space<semaphore_mem>>)
      %dma_wait3A = arith.constant 0 : i32
      %dma_wait3A_35 = tpu.memref_slice %arg5[%arg0, %mul3A_29, %dma_wait3A] : memref<2x10240x128xf32, #tpu.memory_space<hbm>> -> memref<1x640x128xf32, #tpu.memory_space<hbm>>
      %dma_wait3A_36 = tpu.memref_squeeze %dma_wait3A_35 : memref<1x640x128xf32, #tpu.memory_space<hbm>> -> memref<640x128xf32, #tpu.memory_space<hbm>>
      %dma_wait3A_37 = arith.constant 0 : i32
      %dma_wait3A_38 = tpu.memref_slice %arg10[%mul3A_27, %dma_wait3A_37] : memref<10240x128xf32, #tpu.memory_space<vmem_shared>> -> memref<640x128xf32, #tpu.memory_space<vmem_shared>>
      tpu.wait_dma2 semaphore(%run_scoped3A : memref<!tpu.dma_semaphore, #tpu.memory_space<semaphore_mem>>) src(%dma_wait3A_38 : memref<640x128xf32, #tpu.memory_space<vmem_shared>>) dst(%dma_wait3A_36 : memref<640x128xf32, #tpu.memory_space<hbm>>)
      tpu.yield
    }) : () -> ()
    return
  }
}

#map = affine_map<(d0, d1) -> (0, 0, 0)>
#map1 = affine_map<(d0, d1) -> (0, 0)>
module attributes {stable_mosaic.version = 14 : i64} {
  func.func @_sc_deg(%arg0: i32, %arg1: i32, %arg2: memref<32x80x128xi32, #tpu.memory_space<hbm>>, %arg3: memref<640x128xf32, #tpu.memory_space<hbm>>, %arg4: memref<128x128xf32, #tpu.memory_space<hbm>>, %arg5: memref<2x10240x128xf32, #tpu.memory_space<hbm>>, %arg6: memref<80x128xi32, #tpu.memory_space<vmem>>, %arg7: memref<128x128xf32, #tpu.memory_space<vmem>>, %arg8: memref<10240x128xf32, #tpu.memory_space<vmem_shared>>) attributes {dimension_semantics = [#tpu.dimension_semantics<core_parallel>, #tpu.dimension_semantics<subcore_parallel>], iteration_bounds = array<i64: 2, 16>, scalar_prefetch = 0 : i64, scratch_operands = 3 : i64, tpu.core_type = #tpu.core_type<sc_vector_subcore>, window_params = [{transform_indices = #map}, {transform_indices = #map1}, {transform_indices = #map1}, {transform_indices = #map}]} {
    %mul3A = arith.constant 16 : i32
    %mul3A_0 = arith.muli %arg0, %mul3A : i32
    %add3A = arith.addi %mul3A_0, %arg1 : i32
    "tpu.region"() ({
      %run_scoped3A = tpu.sem_alloc : memref<!tpu.dma_semaphore, #tpu.memory_space<semaphore_mem>>
      %dma_start3A = arith.constant 0 : i32
      %dma_start3A_13 = arith.constant 0 : i32
      %dma_start3A_14 = tpu.memref_slice %arg2[%add3A, %dma_start3A, %dma_start3A_13] : memref<32x80x128xi32, #tpu.memory_space<hbm>> -> memref<1x80x128xi32, #tpu.memory_space<hbm>>
      %dma_start3A_15 = tpu.memref_squeeze %dma_start3A_14 : memref<1x80x128xi32, #tpu.memory_space<hbm>> -> memref<80x128xi32, #tpu.memory_space<hbm>>
      %dma_start3A_16 = arith.constant 0 : i32
      %dma_start3A_17 = arith.constant 0 : i32
      %dma_start3A_18 = tpu.memref_slice %arg2[%add3A, %dma_start3A_16, %dma_start3A_17] : memref<32x80x128xi32, #tpu.memory_space<hbm>> -> memref<1x80x128xi32, #tpu.memory_space<hbm>>
      %dma_start3A_19 = tpu.memref_squeeze %dma_start3A_18 : memref<1x80x128xi32, #tpu.memory_space<hbm>> -> memref<80x128xi32, #tpu.memory_space<hbm>>
      tpu.enqueue_dma source(%dma_start3A_19 : memref<80x128xi32, #tpu.memory_space<hbm>>) target(%arg6 : memref<80x128xi32, #tpu.memory_space<vmem>>) target_semaphore(%run_scoped3A : memref<!tpu.dma_semaphore, #tpu.memory_space<semaphore_mem>>)
      %dma_wait3A = arith.constant 0 : i32
      %dma_wait3A_20 = arith.constant 0 : i32
      %dma_wait3A_21 = tpu.memref_slice %arg2[%add3A, %dma_wait3A, %dma_wait3A_20] : memref<32x80x128xi32, #tpu.memory_space<hbm>> -> memref<1x80x128xi32, #tpu.memory_space<hbm>>
      %dma_wait3A_22 = tpu.memref_squeeze %dma_wait3A_21 : memref<1x80x128xi32, #tpu.memory_space<hbm>> -> memref<80x128xi32, #tpu.memory_space<hbm>>
      %dma_wait3A_23 = arith.constant 0 : i32
      %dma_wait3A_24 = arith.constant 0 : i32
      %dma_wait3A_25 = tpu.memref_slice %arg2[%add3A, %dma_wait3A_23, %dma_wait3A_24] : memref<32x80x128xi32, #tpu.memory_space<hbm>> -> memref<1x80x128xi32, #tpu.memory_space<hbm>>
      %dma_wait3A_26 = tpu.memref_squeeze %dma_wait3A_25 : memref<1x80x128xi32, #tpu.memory_space<hbm>> -> memref<80x128xi32, #tpu.memory_space<hbm>>
      tpu.wait_dma2 semaphore(%run_scoped3A : memref<!tpu.dma_semaphore, #tpu.memory_space<semaphore_mem>>) src(%dma_wait3A_26 : memref<80x128xi32, #tpu.memory_space<hbm>>) dst(%arg6 : memref<80x128xi32, #tpu.memory_space<vmem>>)
      tpu.yield
    }) : () -> ()
    "tpu.region"() ({
      %run_scoped3A = tpu.sem_alloc : memref<!tpu.dma_semaphore, #tpu.memory_space<semaphore_mem>>
      tpu.enqueue_dma source(%arg4 : memref<128x128xf32, #tpu.memory_space<hbm>>) target(%arg7 : memref<128x128xf32, #tpu.memory_space<vmem>>) target_semaphore(%run_scoped3A : memref<!tpu.dma_semaphore, #tpu.memory_space<semaphore_mem>>)
      tpu.wait_dma2 semaphore(%run_scoped3A : memref<!tpu.dma_semaphore, #tpu.memory_space<semaphore_mem>>) src(%arg4 : memref<128x128xf32, #tpu.memory_space<hbm>>) dst(%arg7 : memref<128x128xf32, #tpu.memory_space<vmem>>)
      tpu.yield
    }) : () -> ()
    %mul3A_1 = arith.constant 640 : i32
    %mul3A_2 = arith.muli %arg1, %mul3A_1 : i32
    "tpu.region"() ({
      %run_scoped3A = tpu.sem_alloc : memref<!tpu.dma_semaphore, #tpu.memory_space<semaphore_mem>>
      %dma_start3A = arith.constant 0 : i32
      %dma_start3A_13 = tpu.memref_slice %arg8[%mul3A_2, %dma_start3A] : memref<10240x128xf32, #tpu.memory_space<vmem_shared>> -> memref<640x128xf32, #tpu.memory_space<vmem_shared>>
      tpu.enqueue_dma source(%arg3 : memref<640x128xf32, #tpu.memory_space<hbm>>) target(%dma_start3A_13 : memref<640x128xf32, #tpu.memory_space<vmem_shared>>) target_semaphore(%run_scoped3A : memref<!tpu.dma_semaphore, #tpu.memory_space<semaphore_mem>>)
      %dma_wait3A = arith.constant 0 : i32
      %dma_wait3A_14 = tpu.memref_slice %arg8[%mul3A_2, %dma_wait3A] : memref<10240x128xf32, #tpu.memory_space<vmem_shared>> -> memref<640x128xf32, #tpu.memory_space<vmem_shared>>
      tpu.wait_dma2 semaphore(%run_scoped3A : memref<!tpu.dma_semaphore, #tpu.memory_space<semaphore_mem>>) src(%arg3 : memref<640x128xf32, #tpu.memory_space<hbm>>) dst(%dma_wait3A_14 : memref<640x128xf32, #tpu.memory_space<vmem_shared>>)
      tpu.yield
    }) : () -> ()
    %barrier3A = arith.constant 0 : index
    tpu.barrier barrier_id(%barrier3A)
    %scan3A = arith.constant 0 : i32
    %scan3A_3 = arith.constant 0 : i32
    %scan3A_4 = arith.constant 80 : i32
    %scan3A_5 = arith.addi %scan3A_3, %scan3A_4 : i32
    %scan3A_6 = arith.constant 1 : i32
    scf.for %scan3A_13 = %scan3A_3 to %scan3A_5 step %scan3A_6  : i32 {
      "tpu.region"() ({
        %run_scoped3A = tpu.sem_alloc : memref<!tpu.dma_semaphore, #tpu.memory_space<semaphore_mem>>
        %dma_start3A = arith.constant 0 : i32
        %dma_start3A_14 = tpu.memref_slice %arg6[%scan3A_13, %dma_start3A] : memref<80x128xi32, #tpu.memory_space<vmem>> -> memref<1x128xi32, #tpu.memory_space<vmem>>
        %dma_start3A_15 = tpu.memref_squeeze %dma_start3A_14 : memref<1x128xi32, #tpu.memory_space<vmem>> -> memref<128xi32, #tpu.memory_space<vmem>>
        %dma_start3A_16 = arith.constant 0 : i32
        %dma_start3A_17 = arith.constant 0 : i32
        %dma_start3A_18 = tpu.memref_slice %arg8[%dma_start3A_16, %dma_start3A_17] : memref<10240x128xf32, #tpu.memory_space<vmem_shared>> -> memref<10240x128xf32, #tpu.memory_space<vmem_shared>>
        tpu.enqueue_indirect_dma source(%arg7 : memref<128x128xf32, #tpu.memory_space<vmem>>) target(%dma_start3A_18 : memref<10240x128xf32, #tpu.memory_space<vmem_shared>>) offsets(%dma_start3A_15 : memref<128xi32, #tpu.memory_space<vmem>>) semaphore(%run_scoped3A : memref<!tpu.dma_semaphore, #tpu.memory_space<semaphore_mem>>) {add = true}
        %dma_wait3A = arith.constant 0 : i32
        %dma_wait3A_19 = tpu.memref_slice %arg6[%scan3A_13, %dma_wait3A] : memref<80x128xi32, #tpu.memory_space<vmem>> -> memref<1x128xi32, #tpu.memory_space<vmem>>
        %dma_wait3A_20 = tpu.memref_squeeze %dma_wait3A_19 : memref<1x128xi32, #tpu.memory_space<vmem>> -> memref<128xi32, #tpu.memory_space<vmem>>
        %dma_wait3A_21 = arith.constant 0 : i32
        %dma_wait3A_22 = arith.constant 0 : i32
        %dma_wait3A_23 = tpu.memref_slice %arg8[%dma_wait3A_21, %dma_wait3A_22] : memref<10240x128xf32, #tpu.memory_space<vmem_shared>> -> memref<10240x128xf32, #tpu.memory_space<vmem_shared>>
        tpu.wait_indirect_dma semaphore(%run_scoped3A : memref<!tpu.dma_semaphore, #tpu.memory_space<semaphore_mem>>) src(%arg7 : memref<128x128xf32, #tpu.memory_space<vmem>>) dst(%dma_wait3A_23 : memref<10240x128xf32, #tpu.memory_space<vmem_shared>>)
        tpu.yield
      }) : () -> ()
    }
    %scan3A_7 = arith.constant 80 : i32
    %barrier3A_8 = arith.constant 0 : index
    tpu.barrier barrier_id(%barrier3A_8)
    %mul3A_9 = arith.constant 640 : i32
    %mul3A_10 = arith.muli %arg1, %mul3A_9 : i32
    %mul3A_11 = arith.constant 640 : i32
    %mul3A_12 = arith.muli %arg1, %mul3A_11 : i32
    "tpu.region"() ({
      %run_scoped3A = tpu.sem_alloc : memref<!tpu.dma_semaphore, #tpu.memory_space<semaphore_mem>>
      %dma_start3A = arith.constant 0 : i32
      %dma_start3A_13 = tpu.memref_slice %arg5[%arg0, %mul3A_12, %dma_start3A] : memref<2x10240x128xf32, #tpu.memory_space<hbm>> -> memref<1x640x128xf32, #tpu.memory_space<hbm>>
      %dma_start3A_14 = tpu.memref_squeeze %dma_start3A_13 : memref<1x640x128xf32, #tpu.memory_space<hbm>> -> memref<640x128xf32, #tpu.memory_space<hbm>>
      %dma_start3A_15 = arith.constant 0 : i32
      %dma_start3A_16 = tpu.memref_slice %arg8[%mul3A_10, %dma_start3A_15] : memref<10240x128xf32, #tpu.memory_space<vmem_shared>> -> memref<640x128xf32, #tpu.memory_space<vmem_shared>>
      tpu.enqueue_dma source(%dma_start3A_16 : memref<640x128xf32, #tpu.memory_space<vmem_shared>>) target(%dma_start3A_14 : memref<640x128xf32, #tpu.memory_space<hbm>>) target_semaphore(%run_scoped3A : memref<!tpu.dma_semaphore, #tpu.memory_space<semaphore_mem>>)
      %dma_wait3A = arith.constant 0 : i32
      %dma_wait3A_17 = tpu.memref_slice %arg5[%arg0, %mul3A_12, %dma_wait3A] : memref<2x10240x128xf32, #tpu.memory_space<hbm>> -> memref<1x640x128xf32, #tpu.memory_space<hbm>>
      %dma_wait3A_18 = tpu.memref_squeeze %dma_wait3A_17 : memref<1x640x128xf32, #tpu.memory_space<hbm>> -> memref<640x128xf32, #tpu.memory_space<hbm>>
      %dma_wait3A_19 = arith.constant 0 : i32
      %dma_wait3A_20 = tpu.memref_slice %arg8[%mul3A_10, %dma_wait3A_19] : memref<10240x128xf32, #tpu.memory_space<vmem_shared>> -> memref<640x128xf32, #tpu.memory_space<vmem_shared>>
      tpu.wait_dma2 semaphore(%run_scoped3A : memref<!tpu.dma_semaphore, #tpu.memory_space<semaphore_mem>>) src(%dma_wait3A_20 : memref<640x128xf32, #tpu.memory_space<vmem_shared>>) dst(%dma_wait3A_18 : memref<640x128xf32, #tpu.memory_space<hbm>>)
      tpu.yield
    }) : () -> ()
    return
  }
}

module attributes {stable_mosaic.version = 14 : i64} {
  func.func @_prologue_body(%arg0: i32, %arg1: memref<1000x26xf32, #tpu.memory_space<vmem>>, %arg2: memref<26x128xf32, #tpu.memory_space<vmem>>, %arg3: memref<1x128xf32, #tpu.memory_space<vmem>>, %arg4: memref<128x128xf32, #tpu.memory_space<vmem>>, %arg5: memref<1x128xf32, #tpu.memory_space<vmem>>, %arg6: memref<128x128xf32, #tpu.memory_space<vmem>>, %arg7: memref<2x1000x128xf32, #tpu.memory_space<vmem>>, %arg8: memref<1000x128xf32, #tpu.memory_space<vmem>>, %arg9: memref<1000x128xf32, #tpu.memory_space<vmem>>, %arg10: memref<1000x16xf32, #tpu.memory_space<vmem>>) attributes {dimension_semantics = [#tpu.dimension_semantics<arbitrary>], iteration_bounds = array<i64: 10>, scalar_prefetch = 0 : i64, scratch_operands = 0 : i64, tpu.core_type = #tpu.core_type<tc>, window_params = [{transform_indices = @transform_0, window_bounds = array<i64: 1000, 26>}, {pipeline_mode = #tpu.pipeline_mode<synchronous>, transform_indices = @transform_1, window_bounds = array<i64: 26, 128>}, {pipeline_mode = #tpu.pipeline_mode<synchronous>, transform_indices = @transform_2, window_bounds = array<i64: 1, 128>}, {pipeline_mode = #tpu.pipeline_mode<synchronous>, transform_indices = @transform_3, window_bounds = array<i64: 128, 128>}, {pipeline_mode = #tpu.pipeline_mode<synchronous>, transform_indices = @transform_4, window_bounds = array<i64: 1, 128>}, {pipeline_mode = #tpu.pipeline_mode<synchronous>, transform_indices = @transform_5, window_bounds = array<i64: 128, 128>}, {transform_indices = @transform_6, window_bounds = array<i64: 2, 1000, 128>}, {transform_indices = @transform_7, window_bounds = array<i64: 1000, 128>}, {transform_indices = @transform_8, window_bounds = array<i64: 1000, 128>}, {transform_indices = @transform_9, window_bounds = array<i64: 1000, 16>}]} {
    %get3A = arith.constant 0 : index
    %get3A_0 = arith.constant 0 : index
    %get3A_1 = vector.load %arg1[%get3A, %get3A_0] : memref<1000x26xf32, #tpu.memory_space<vmem>>, vector<1000x26xf32>
    %get3A_2 = arith.constant 0 : index
    %get3A_3 = arith.constant 0 : index
    %get3A_4 = vector.load %arg2[%get3A_2, %get3A_3] : memref<26x128xf32, #tpu.memory_space<vmem>>, vector<26x128xf32>
    %dot_general3A = arith.constant dense<0.000000e+00> : vector<1000x128xf32>
    %dot_general3A_5 = tpu.matmul %get3A_1, %get3A_4, %dot_general3A {dimension_numbers = #tpu.dot_dimension_numbers<[1], [0], [0], [1], [0, 0, 1, 1], [], []>, transpose_lhs_hint = false} : vector<1000x26xf32>, vector<26x128xf32>, vector<1000x128xf32> -> vector<1000x128xf32>
    %get3A_6 = arith.constant 0 : index
    %get3A_7 = arith.constant 0 : index
    %get3A_8 = vector.load %arg3[%get3A_6, %get3A_7] : memref<1x128xf32, #tpu.memory_space<vmem>>, vector<1x128xf32>
    %add3A = vector.broadcast %get3A_8 : vector<1x128xf32> to vector<1000x128xf32>
    %add3A_9 = arith.addf %dot_general3A_5, %add3A : vector<1000x128xf32>
    %max3A = arith.constant 0.000000e+00 : f32
    %max3A_10 = vector.broadcast %max3A : f32 to vector<1000x128xf32>
    %max3A_11 = arith.maximumf %add3A_9, %max3A_10 : vector<1000x128xf32>
    %get3A_12 = arith.constant 0 : index
    %get3A_13 = arith.constant 0 : index
    %get3A_14 = vector.load %arg4[%get3A_12, %get3A_13] : memref<128x128xf32, #tpu.memory_space<vmem>>, vector<128x128xf32>
    %dot_general3A_15 = arith.constant dense<0.000000e+00> : vector<1000x128xf32>
    %dot_general3A_16 = tpu.matmul %max3A_11, %get3A_14, %dot_general3A_15 {dimension_numbers = #tpu.dot_dimension_numbers<[1], [0], [0], [1], [0, 0, 1, 1], [], []>, transpose_lhs_hint = false} : vector<1000x128xf32>, vector<128x128xf32>, vector<1000x128xf32> -> vector<1000x128xf32>
    %get3A_17 = arith.constant 0 : index
    %get3A_18 = arith.constant 0 : index
    %get3A_19 = vector.load %arg5[%get3A_17, %get3A_18] : memref<1x128xf32, #tpu.memory_space<vmem>>, vector<1x128xf32>
    %add3A_20 = vector.broadcast %get3A_19 : vector<1x128xf32> to vector<1000x128xf32>
    %add3A_21 = arith.addf %dot_general3A_16, %add3A_20 : vector<1000x128xf32>
    %swap3A = arith.constant 0 : index
    %swap3A_22 = arith.constant 0 : index
    %swap3A_23 = vector.load %arg8[%swap3A, %swap3A_22] : memref<1000x128xf32, #tpu.memory_space<vmem>>, vector<1000x128xf32>
    tpu.vector_store %arg8[%swap3A, %swap3A_22], %add3A_21 {strides = array<i32>} : memref<1000x128xf32, #tpu.memory_space<vmem>>, vector<1000x128xf32>,
    %get3A_24 = arith.constant 0 : index
    %get3A_25 = arith.constant 0 : index
    %get3A_26 = arith.constant 0 : index
    %get3A_27 = vector.load %arg7[%get3A_24, %get3A_25, %get3A_26] : memref<2x1000x128xf32, #tpu.memory_space<vmem>>, vector<2x1000x128xf32>
    %slice3A = vector.extract_strided_slice %get3A_27 {offsets = [0, 0, 0], sizes = [1, 1000, 1], strides = [1, 1, 1]} : vector<2x1000x128xf32> to vector<1x1000x1xf32>
    %squeeze3A = vector.shape_cast %slice3A : vector<1x1000x1xf32> to vector<1000x1xf32>
    %slice3A_28 = vector.extract_strided_slice %get3A_27 {offsets = [1, 0, 0], sizes = [1, 1000, 1], strides = [1, 1, 1]} : vector<2x1000x128xf32> to vector<1x1000x1xf32>
    %squeeze3A_29 = vector.shape_cast %slice3A_28 : vector<1x1000x1xf32> to vector<1000x1xf32>
    %add3A_30 = arith.addf %squeeze3A, %squeeze3A_29 : vector<1000x1xf32>
    %add3A_31 = arith.constant 1.000000e+00 : f32
    %add3A_32 = vector.broadcast %add3A_31 : f32 to vector<1000x1xf32>
    %add3A_33 = arith.addf %add3A_30, %add3A_32 : vector<1000x1xf32>
    %rsqrt3A = math.rsqrt %add3A_33 : vector<1000x1xf32>
    %broadcast_in_dim3A = arith.constant 1.000000e+00 : f32
    %broadcast_in_dim3A_34 = vector.broadcast %broadcast_in_dim3A : f32 to vector<1x16xf32>
    %mul3A = vector.broadcast %rsqrt3A : vector<1000x1xf32> to vector<1000x16xf32>
    %mul3A_35 = vector.broadcast %broadcast_in_dim3A_34 : vector<1x16xf32> to vector<1000x16xf32>
    %mul3A_36 = arith.mulf %mul3A, %mul3A_35 : vector<1000x16xf32>
    %swap3A_37 = arith.constant 0 : index
    %swap3A_38 = arith.constant 0 : index
    %swap3A_39 = vector.load %arg10[%swap3A_37, %swap3A_38] : memref<1000x16xf32, #tpu.memory_space<vmem>>, vector<1000x16xf32>
    tpu.vector_store %arg10[%swap3A_37, %swap3A_38], %mul3A_36 {strides = array<i32>} : memref<1000x16xf32, #tpu.memory_space<vmem>>, vector<1000x16xf32>,
    %get3A_40 = arith.constant 0 : index
    %get3A_41 = arith.constant 0 : index
    %get3A_42 = vector.load %arg6[%get3A_40, %get3A_41] : memref<128x128xf32, #tpu.memory_space<vmem>>, vector<128x128xf32>
    %dot_general3A_43 = arith.constant dense<0.000000e+00> : vector<1000x128xf32>
    %dot_general3A_44 = tpu.matmul %add3A_21, %get3A_42, %dot_general3A_43 {dimension_numbers = #tpu.dot_dimension_numbers<[1], [0], [0], [1], [0, 0, 1, 1], [], []>, transpose_lhs_hint = false} : vector<1000x128xf32>, vector<128x128xf32>, vector<1000x128xf32> -> vector<1000x128xf32>
    %mul3A_45 = vector.broadcast %rsqrt3A : vector<1000x1xf32> to vector<1000x128xf32>
    %mul3A_46 = arith.mulf %dot_general3A_44, %mul3A_45 : vector<1000x128xf32>
    %swap3A_47 = arith.constant 0 : index
    %swap3A_48 = arith.constant 0 : index
    %swap3A_49 = vector.load %arg9[%swap3A_47, %swap3A_48] : memref<1000x128xf32, #tpu.memory_space<vmem>>, vector<1000x128xf32>
    tpu.vector_store %arg9[%swap3A_47, %swap3A_48], %mul3A_46 {strides = array<i32>} : memref<1000x128xf32, #tpu.memory_space<vmem>>, vector<1000x128xf32>,
    return
  }
  func.func @transform_0(%arg0: i32) -> (i32, i32) {
    %c0_i32 = arith.constant 0 : i32
    %c0_i32_0 = arith.constant 0 : i32
    return %arg0, %c0_i32 : i32, i32
  }
  func.func @transform_1(%arg0: i32) -> (i32, i32) {
    %c0_i32 = arith.constant 0 : i32
    %c0_i32_0 = arith.constant 0 : i32
    %c0_i32_1 = arith.constant 0 : i32
    return %c0_i32, %c0_i32_0 : i32, i32
  }
  func.func @transform_2(%arg0: i32) -> (i32, i32) {
    %c0_i32 = arith.constant 0 : i32
    %c0_i32_0 = arith.constant 0 : i32
    %c0_i32_1 = arith.constant 0 : i32
    return %c0_i32, %c0_i32_0 : i32, i32
  }
  func.func @transform_3(%arg0: i32) -> (i32, i32) {
    %c0_i32 = arith.constant 0 : i32
    %c0_i32_0 = arith.constant 0 : i32
    %c0_i32_1 = arith.constant 0 : i32
    return %c0_i32, %c0_i32_0 : i32, i32
  }
  func.func @transform_4(%arg0: i32) -> (i32, i32) {
    %c0_i32 = arith.constant 0 : i32
    %c0_i32_0 = arith.constant 0 : i32
    %c0_i32_1 = arith.constant 0 : i32
    return %c0_i32, %c0_i32_0 : i32, i32
  }
  func.func @transform_5(%arg0: i32) -> (i32, i32) {
    %c0_i32 = arith.constant 0 : i32
    %c0_i32_0 = arith.constant 0 : i32
    %c0_i32_1 = arith.constant 0 : i32
    return %c0_i32, %c0_i32_0 : i32, i32
  }
  func.func @transform_6(%arg0: i32) -> (i32, i32, i32) {
    %c0_i32 = arith.constant 0 : i32
    %c0_i32_0 = arith.constant 0 : i32
    %c0_i32_1 = arith.constant 0 : i32
    return %c0_i32, %arg0, %c0_i32_0 : i32, i32, i32
  }
  func.func @transform_7(%arg0: i32) -> (i32, i32) {
    %c0_i32 = arith.constant 0 : i32
    %c0_i32_0 = arith.constant 0 : i32
    return %arg0, %c0_i32 : i32, i32
  }
  func.func @transform_8(%arg0: i32) -> (i32, i32) {
    %c0_i32 = arith.constant 0 : i32
    %c0_i32_0 = arith.constant 0 : i32
    return %arg0, %c0_i32 : i32, i32
  }
  func.func @transform_9(%arg0: i32) -> (i32, i32) {
    %c0_i32 = arith.constant 0 : i32
    %c0_i32_0 = arith.constant 0 : i32
    return %arg0, %c0_i32 : i32, i32
  }
}

module attributes {stable_mosaic.version = 14 : i64} {
  func.func @_combine_body(%arg0: i32, %arg1: memref<2x1000x128xf32, #tpu.memory_space<vmem>>, %arg2: memref<1000x128xf32, #tpu.memory_space<vmem>>, %arg3: memref<1000x16xf32, #tpu.memory_space<vmem>>, %arg4: memref<1x128xf32, #tpu.memory_space<vmem>>, %arg5: memref<1000x128xf32, #tpu.memory_space<vmem>>, %arg6: memref<8x128xf32, #tpu.memory_space<vmem>>) attributes {dimension_semantics = [#tpu.dimension_semantics<arbitrary>], iteration_bounds = array<i64: 10>, scalar_prefetch = 0 : i64, scratch_operands = 0 : i64, tpu.core_type = #tpu.core_type<tc>, window_params = [{transform_indices = @transform_0, window_bounds = array<i64: 2, 1000, 128>}, {transform_indices = @transform_1, window_bounds = array<i64: 1000, 128>}, {transform_indices = @transform_2, window_bounds = array<i64: 1000, 16>}, {pipeline_mode = #tpu.pipeline_mode<synchronous>, transform_indices = @transform_3, window_bounds = array<i64: 1, 128>}, {transform_indices = @transform_4, window_bounds = array<i64: 1000, 128>}, {pipeline_mode = #tpu.pipeline_mode<synchronous>, transform_indices = @transform_5, window_bounds = array<i64: 8, 128>}]} {
    %get3A = arith.constant 0 : index
    %get3A_0 = arith.constant 0 : index
    %get3A_1 = arith.constant 0 : index
    %get3A_2 = vector.load %arg1[%get3A, %get3A_0, %get3A_1] : memref<2x1000x128xf32, #tpu.memory_space<vmem>>, vector<2x1000x128xf32>
    %get3A_3 = arith.constant 0 : index
    %get3A_4 = arith.constant 0 : index
    %get3A_5 = vector.load %arg3[%get3A_3, %get3A_4] : memref<1000x16xf32, #tpu.memory_space<vmem>>, vector<1000x16xf32>
    %slice3A = vector.extract_strided_slice %get3A_5 {offsets = [0, 0], sizes = [1000, 1], strides = [1, 1]} : vector<1000x16xf32> to vector<1000x1xf32>
    %slice3A_6 = vector.extract_strided_slice %get3A_2 {offsets = [0, 0, 0], sizes = [1, 1000, 128], strides = [1, 1, 1]} : vector<2x1000x128xf32> to vector<1x1000x128xf32>
    %squeeze3A = vector.shape_cast %slice3A_6 : vector<1x1000x128xf32> to vector<1000x128xf32>
    %slice3A_7 = vector.extract_strided_slice %get3A_2 {offsets = [1, 0, 0], sizes = [1, 1000, 128], strides = [1, 1, 1]} : vector<2x1000x128xf32> to vector<1x1000x128xf32>
    %squeeze3A_8 = vector.shape_cast %slice3A_7 : vector<1x1000x128xf32> to vector<1000x128xf32>
    %add3A = arith.addf %squeeze3A, %squeeze3A_8 : vector<1000x128xf32>
    %get3A_9 = arith.constant 0 : index
    %get3A_10 = arith.constant 0 : index
    %get3A_11 = vector.load %arg2[%get3A_9, %get3A_10] : memref<1000x128xf32, #tpu.memory_space<vmem>>, vector<1000x128xf32>
    %add3A_12 = arith.addf %add3A, %get3A_11 : vector<1000x128xf32>
    %mul3A = vector.broadcast %slice3A : vector<1000x1xf32> to vector<1000x128xf32>
    %mul3A_13 = arith.mulf %add3A_12, %mul3A : vector<1000x128xf32>
    %get3A_14 = arith.constant 0 : index
    %get3A_15 = arith.constant 0 : index
    %get3A_16 = vector.load %arg4[%get3A_14, %get3A_15] : memref<1x128xf32, #tpu.memory_space<vmem>>, vector<1x128xf32>
    %add3A_17 = vector.broadcast %get3A_16 : vector<1x128xf32> to vector<1000x128xf32>
    %add3A_18 = arith.addf %mul3A_13, %add3A_17 : vector<1000x128xf32>
    %swap3A = arith.constant 0 : index
    %swap3A_19 = arith.constant 0 : index
    %swap3A_20 = vector.load %arg5[%swap3A, %swap3A_19] : memref<1000x128xf32, #tpu.memory_space<vmem>>, vector<1000x128xf32>
    tpu.vector_store %arg5[%swap3A, %swap3A_19], %add3A_18 {strides = array<i32>} : memref<1000x128xf32, #tpu.memory_space<vmem>>, vector<1000x128xf32>,
    %eq3A = arith.constant 0 : i32
    %eq3A_21 = arith.cmpi eq, %arg0, %eq3A : i32
    %convert_element_type3A = arith.extui %eq3A_21 : i1 to i32
    %cond3A = arith.constant 0 : i32
    %cond3A_22 = arith.cmpi ne, %convert_element_type3A, %cond3A : i32
    scf.if %cond3A_22 {
      %broadcast_in_dim3A_42 = arith.constant 0.000000e+00 : f32
      %broadcast_in_dim3A_43 = vector.broadcast %broadcast_in_dim3A_42 : f32 to vector<8x128xf32>
      %swap3A_44 = arith.constant 0 : index
      %swap3A_45 = arith.constant 0 : index
      %swap3A_46 = vector.load %arg6[%swap3A_44, %swap3A_45] : memref<8x128xf32, #tpu.memory_space<vmem>>, vector<8x128xf32>
      tpu.vector_store %arg6[%swap3A_44, %swap3A_45], %broadcast_in_dim3A_43 {strides = array<i32>} : memref<8x128xf32, #tpu.memory_space<vmem>>, vector<8x128xf32>,
    } else {
    }
    %get3A_23 = arith.constant 0 : index
    %get3A_24 = arith.constant 0 : index
    %get3A_25 = vector.load %arg6[%get3A_23, %get3A_24] : memref<8x128xf32, #tpu.memory_space<vmem>>, vector<1x128xf32>
    %reduce_sum3A = arith.constant dense<0.000000e+00> : vector<128xf32>
    %reduce_sum3A_26 = vector.multi_reduction <add>, %add3A_18, %reduce_sum3A [0] : vector<1000x128xf32> to vector<128xf32>
    %broadcast_in_dim3A = vector.shape_cast %reduce_sum3A_26 : vector<128xf32> to vector<1x128xf32>
    %add3A_27 = arith.addf %get3A_25, %broadcast_in_dim3A : vector<1x128xf32>
    %swap3A_28 = arith.constant 0 : index
    %swap3A_29 = arith.constant 0 : index
    %swap3A_30 = vector.load %arg6[%swap3A_28, %swap3A_29] : memref<8x128xf32, #tpu.memory_space<vmem>>, vector<1x128xf32>
    tpu.vector_store %arg6[%swap3A_28, %swap3A_29], %add3A_27 {strides = array<i32>} : memref<8x128xf32, #tpu.memory_space<vmem>>, vector<1x128xf32>,
    %get3A_31 = arith.constant 1 : index
    %get3A_32 = arith.constant 0 : index
    %get3A_33 = vector.load %arg6[%get3A_31, %get3A_32] : memref<8x128xf32, #tpu.memory_space<vmem>>, vector<1x128xf32>
    %mul3A_34 = arith.mulf %add3A_18, %add3A_18 : vector<1000x128xf32>
    %reduce_sum3A_35 = arith.constant dense<0.000000e+00> : vector<128xf32>
    %reduce_sum3A_36 = vector.multi_reduction <add>, %mul3A_34, %reduce_sum3A_35 [0] : vector<1000x128xf32> to vector<128xf32>
    %broadcast_in_dim3A_37 = vector.shape_cast %reduce_sum3A_36 : vector<128xf32> to vector<1x128xf32>
    %add3A_38 = arith.addf %get3A_33, %broadcast_in_dim3A_37 : vector<1x128xf32>
    %swap3A_39 = arith.constant 1 : index
    %swap3A_40 = arith.constant 0 : index
    %swap3A_41 = vector.load %arg6[%swap3A_39, %swap3A_40] : memref<8x128xf32, #tpu.memory_space<vmem>>, vector<1x128xf32>
    tpu.vector_store %arg6[%swap3A_39, %swap3A_40], %add3A_38 {strides = array<i32>} : memref<8x128xf32, #tpu.memory_space<vmem>>, vector<1x128xf32>,
    return
  }
  func.func @transform_0(%arg0: i32) -> (i32, i32, i32) {
    %c0_i32 = arith.constant 0 : i32
    %c0_i32_0 = arith.constant 0 : i32
    %c0_i32_1 = arith.constant 0 : i32
    return %c0_i32, %arg0, %c0_i32_0 : i32, i32, i32
  }
  func.func @transform_1(%arg0: i32) -> (i32, i32) {
    %c0_i32 = arith.constant 0 : i32
    %c0_i32_0 = arith.constant 0 : i32
    return %arg0, %c0_i32 : i32, i32
  }
  func.func @transform_2(%arg0: i32) -> (i32, i32) {
    %c0_i32 = arith.constant 0 : i32
    %c0_i32_0 = arith.constant 0 : i32
    return %arg0, %c0_i32 : i32, i32
  }
  func.func @transform_3(%arg0: i32) -> (i32, i32) {
    %c0_i32 = arith.constant 0 : i32
    %c0_i32_0 = arith.constant 0 : i32
    %c0_i32_1 = arith.constant 0 : i32
    return %c0_i32, %c0_i32_0 : i32, i32
  }
  func.func @transform_4(%arg0: i32) -> (i32, i32) {
    %c0_i32 = arith.constant 0 : i32
    %c0_i32_0 = arith.constant 0 : i32
    return %arg0, %c0_i32 : i32, i32
  }
  func.func @transform_5(%arg0: i32) -> (i32, i32) {
    %c0_i32 = arith.constant 0 : i32
    %c0_i32_0 = arith.constant 0 : i32
    %c0_i32_1 = arith.constant 0 : i32
    return %c0_i32, %c0_i32_0 : i32, i32
  }
}

module attributes {stable_mosaic.version = 14 : i64} {
  func.func @_mid_body(%arg0: i32, %arg1: memref<1000x128xf32, #tpu.memory_space<vmem>>, %arg2: memref<8x128xf32, #tpu.memory_space<vmem>>, %arg3: memref<1x128xf32, #tpu.memory_space<vmem>>, %arg4: memref<1x128xf32, #tpu.memory_space<vmem>>, %arg5: memref<1000x128xf32, #tpu.memory_space<vmem>>, %arg6: memref<128x128xf32, #tpu.memory_space<vmem>>, %arg7: memref<1000x16xf32, #tpu.memory_space<vmem>>, %arg8: memref<1000x128xf32, #tpu.memory_space<vmem>>) attributes {dimension_semantics = [#tpu.dimension_semantics<arbitrary>], iteration_bounds = array<i64: 10>, scalar_prefetch = 0 : i64, scratch_operands = 0 : i64, tpu.core_type = #tpu.core_type<tc>, window_params = [{transform_indices = @transform_0, window_bounds = array<i64: 1000, 128>}, {pipeline_mode = #tpu.pipeline_mode<synchronous>, transform_indices = @transform_1, window_bounds = array<i64: 8, 128>}, {pipeline_mode = #tpu.pipeline_mode<synchronous>, transform_indices = @transform_2, window_bounds = array<i64: 1, 128>}, {pipeline_mode = #tpu.pipeline_mode<synchronous>, transform_indices = @transform_3, window_bounds = array<i64: 1, 128>}, {transform_indices = @transform_4, window_bounds = array<i64: 1000, 128>}, {pipeline_mode = #tpu.pipeline_mode<synchronous>, transform_indices = @transform_5, window_bounds = array<i64: 128, 128>}, {transform_indices = @transform_6, window_bounds = array<i64: 1000, 16>}, {transform_indices = @transform_7, window_bounds = array<i64: 1000, 128>}]} {
    %get3A = arith.constant 0 : index
    %get3A_0 = arith.constant 0 : index
    %get3A_1 = vector.load %arg2[%get3A, %get3A_0] : memref<8x128xf32, #tpu.memory_space<vmem>>, vector<1x128xf32>
    %div3A = arith.constant 1.000000e+04 : f32
    %div3A_2 = vector.broadcast %div3A : f32 to vector<1x128xf32>
    %div3A_3 = arith.divf %get3A_1, %div3A_2 : vector<1x128xf32>
    %get3A_4 = arith.constant 1 : index
    %get3A_5 = arith.constant 0 : index
    %get3A_6 = vector.load %arg2[%get3A_4, %get3A_5] : memref<8x128xf32, #tpu.memory_space<vmem>>, vector<1x128xf32>
    %div3A_7 = arith.constant 1.000000e+04 : f32
    %div3A_8 = vector.broadcast %div3A_7 : f32 to vector<1x128xf32>
    %div3A_9 = arith.divf %get3A_6, %div3A_8 : vector<1x128xf32>
    %mul3A = arith.mulf %div3A_3, %div3A_3 : vector<1x128xf32>
    %sub3A = arith.subf %div3A_9, %mul3A : vector<1x128xf32>
    %add3A = arith.constant 9.99999974E-6 : f32
    %add3A_10 = vector.broadcast %add3A : f32 to vector<1x128xf32>
    %add3A_11 = arith.addf %sub3A, %add3A_10 : vector<1x128xf32>
    %rsqrt3A = math.rsqrt %add3A_11 : vector<1x128xf32>
    %get3A_12 = arith.constant 0 : index
    %get3A_13 = arith.constant 0 : index
    %get3A_14 = vector.load %arg1[%get3A_12, %get3A_13] : memref<1000x128xf32, #tpu.memory_space<vmem>>, vector<1000x128xf32>
    %sub3A_15 = vector.broadcast %div3A_3 : vector<1x128xf32> to vector<1000x128xf32>
    %sub3A_16 = arith.subf %get3A_14, %sub3A_15 : vector<1000x128xf32>
    %get3A_17 = arith.constant 0 : index
    %get3A_18 = arith.constant 0 : index
    %get3A_19 = vector.load %arg3[%get3A_17, %get3A_18] : memref<1x128xf32, #tpu.memory_space<vmem>>, vector<1x128xf32>
    %mul3A_20 = arith.mulf %get3A_19, %rsqrt3A : vector<1x128xf32>
    %mul3A_21 = vector.broadcast %mul3A_20 : vector<1x128xf32> to vector<1000x128xf32>
    %mul3A_22 = arith.mulf %sub3A_16, %mul3A_21 : vector<1000x128xf32>
    %get3A_23 = arith.constant 0 : index
    %get3A_24 = arith.constant 0 : index
    %get3A_25 = vector.load %arg4[%get3A_23, %get3A_24] : memref<1x128xf32, #tpu.memory_space<vmem>>, vector<1x128xf32>
    %add3A_26 = vector.broadcast %get3A_25 : vector<1x128xf32> to vector<1000x128xf32>
    %add3A_27 = arith.addf %mul3A_22, %add3A_26 : vector<1000x128xf32>
    %max3A = arith.constant 0.000000e+00 : f32
    %max3A_28 = vector.broadcast %max3A : f32 to vector<1000x128xf32>
    %max3A_29 = arith.maximumf %add3A_27, %max3A_28 : vector<1000x128xf32>
    %get3A_30 = arith.constant 0 : index
    %get3A_31 = arith.constant 0 : index
    %get3A_32 = vector.load %arg5[%get3A_30, %get3A_31] : memref<1000x128xf32, #tpu.memory_space<vmem>>, vector<1000x128xf32>
    %add3A_33 = arith.addf %max3A_29, %get3A_32 : vector<1000x128xf32>
    %get3A_34 = arith.constant 0 : index
    %get3A_35 = arith.constant 0 : index
    %get3A_36 = vector.load %arg7[%get3A_34, %get3A_35] : memref<1000x16xf32, #tpu.memory_space<vmem>>, vector<1000x16xf32>
    %slice3A = vector.extract_strided_slice %get3A_36 {offsets = [0, 0], sizes = [1000, 1], strides = [1, 1]} : vector<1000x16xf32> to vector<1000x1xf32>
    %get3A_37 = arith.constant 0 : index
    %get3A_38 = arith.constant 0 : index
    %get3A_39 = vector.load %arg6[%get3A_37, %get3A_38] : memref<128x128xf32, #tpu.memory_space<vmem>>, vector<128x128xf32>
    %dot_general3A = arith.constant dense<0.000000e+00> : vector<1000x128xf32>
    %dot_general3A_40 = tpu.matmul %add3A_33, %get3A_39, %dot_general3A {dimension_numbers = #tpu.dot_dimension_numbers<[1], [0], [0], [1], [0, 0, 1, 1], [], []>, transpose_lhs_hint = false} : vector<1000x128xf32>, vector<128x128xf32>, vector<1000x128xf32> -> vector<1000x128xf32>
    %mul3A_41 = vector.broadcast %slice3A : vector<1000x1xf32> to vector<1000x128xf32>
    %mul3A_42 = arith.mulf %dot_general3A_40, %mul3A_41 : vector<1000x128xf32>
    %swap3A = arith.constant 0 : index
    %swap3A_43 = arith.constant 0 : index
    %swap3A_44 = vector.load %arg8[%swap3A, %swap3A_43] : memref<1000x128xf32, #tpu.memory_space<vmem>>, vector<1000x128xf32>
    tpu.vector_store %arg8[%swap3A, %swap3A_43], %mul3A_42 {strides = array<i32>} : memref<1000x128xf32, #tpu.memory_space<vmem>>, vector<1000x128xf32>,
    return
  }
  func.func @transform_0(%arg0: i32) -> (i32, i32) {
    %c0_i32 = arith.constant 0 : i32
    %c0_i32_0 = arith.constant 0 : i32
    return %arg0, %c0_i32 : i32, i32
  }
  func.func @transform_1(%arg0: i32) -> (i32, i32) {
    %c0_i32 = arith.constant 0 : i32
    %c0_i32_0 = arith.constant 0 : i32
    %c0_i32_1 = arith.constant 0 : i32
    return %c0_i32, %c0_i32_0 : i32, i32
  }
  func.func @transform_2(%arg0: i32) -> (i32, i32) {
    %c0_i32 = arith.constant 0 : i32
    %c0_i32_0 = arith.constant 0 : i32
    %c0_i32_1 = arith.constant 0 : i32
    return %c0_i32, %c0_i32_0 : i32, i32
  }
  func.func @transform_3(%arg0: i32) -> (i32, i32) {
    %c0_i32 = arith.constant 0 : i32
    %c0_i32_0 = arith.constant 0 : i32
    %c0_i32_1 = arith.constant 0 : i32
    return %c0_i32, %c0_i32_0 : i32, i32
  }
  func.func @transform_4(%arg0: i32) -> (i32, i32) {
    %c0_i32 = arith.constant 0 : i32
    %c0_i32_0 = arith.constant 0 : i32
    return %arg0, %c0_i32 : i32, i32
  }
  func.func @transform_5(%arg0: i32) -> (i32, i32) {
    %c0_i32 = arith.constant 0 : i32
    %c0_i32_0 = arith.constant 0 : i32
    %c0_i32_1 = arith.constant 0 : i32
    return %c0_i32, %c0_i32_0 : i32, i32
  }
  func.func @transform_6(%arg0: i32) -> (i32, i32) {
    %c0_i32 = arith.constant 0 : i32
    %c0_i32_0 = arith.constant 0 : i32
    return %arg0, %c0_i32 : i32, i32
  }
  func.func @transform_7(%arg0: i32) -> (i32, i32) {
    %c0_i32 = arith.constant 0 : i32
    %c0_i32_0 = arith.constant 0 : i32
    return %arg0, %c0_i32 : i32, i32
  }
}

module attributes {stable_mosaic.version = 14 : i64} {
  func.func @_epilogue_body(%arg0: i32, %arg1: memref<1000x128xf32, #tpu.memory_space<vmem>>, %arg2: memref<8x128xf32, #tpu.memory_space<vmem>>, %arg3: memref<1x128xf32, #tpu.memory_space<vmem>>, %arg4: memref<1x128xf32, #tpu.memory_space<vmem>>, %arg5: memref<128x64xf32, #tpu.memory_space<vmem>>, %arg6: memref<1x64xf32, #tpu.memory_space<vmem>>, %arg7: memref<1000x64xf32, #tpu.memory_space<vmem>>) attributes {dimension_semantics = [#tpu.dimension_semantics<arbitrary>], iteration_bounds = array<i64: 10>, scalar_prefetch = 0 : i64, scratch_operands = 0 : i64, tpu.core_type = #tpu.core_type<tc>, window_params = [{transform_indices = @transform_0, window_bounds = array<i64: 1000, 128>}, {pipeline_mode = #tpu.pipeline_mode<synchronous>, transform_indices = @transform_1, window_bounds = array<i64: 8, 128>}, {pipeline_mode = #tpu.pipeline_mode<synchronous>, transform_indices = @transform_2, window_bounds = array<i64: 1, 128>}, {pipeline_mode = #tpu.pipeline_mode<synchronous>, transform_indices = @transform_3, window_bounds = array<i64: 1, 128>}, {pipeline_mode = #tpu.pipeline_mode<synchronous>, transform_indices = @transform_4, window_bounds = array<i64: 128, 64>}, {pipeline_mode = #tpu.pipeline_mode<synchronous>, transform_indices = @transform_5, window_bounds = array<i64: 1, 64>}, {transform_indices = @transform_6, window_bounds = array<i64: 1000, 64>}]} {
    %get3A = arith.constant 0 : index
    %get3A_0 = arith.constant 0 : index
    %get3A_1 = vector.load %arg2[%get3A, %get3A_0] : memref<8x128xf32, #tpu.memory_space<vmem>>, vector<1x128xf32>
    %div3A = arith.constant 1.000000e+04 : f32
    %div3A_2 = vector.broadcast %div3A : f32 to vector<1x128xf32>
    %div3A_3 = arith.divf %get3A_1, %div3A_2 : vector<1x128xf32>
    %get3A_4 = arith.constant 1 : index
    %get3A_5 = arith.constant 0 : index
    %get3A_6 = vector.load %arg2[%get3A_4, %get3A_5] : memref<8x128xf32, #tpu.memory_space<vmem>>, vector<1x128xf32>
    %div3A_7 = arith.constant 1.000000e+04 : f32
    %div3A_8 = vector.broadcast %div3A_7 : f32 to vector<1x128xf32>
    %div3A_9 = arith.divf %get3A_6, %div3A_8 : vector<1x128xf32>
    %mul3A = arith.mulf %div3A_3, %div3A_3 : vector<1x128xf32>
    %sub3A = arith.subf %div3A_9, %mul3A : vector<1x128xf32>
    %add3A = arith.constant 9.99999974E-6 : f32
    %add3A_10 = vector.broadcast %add3A : f32 to vector<1x128xf32>
    %add3A_11 = arith.addf %sub3A, %add3A_10 : vector<1x128xf32>
    %rsqrt3A = math.rsqrt %add3A_11 : vector<1x128xf32>
    %get3A_12 = arith.constant 0 : index
    %get3A_13 = arith.constant 0 : index
    %get3A_14 = vector.load %arg1[%get3A_12, %get3A_13] : memref<1000x128xf32, #tpu.memory_space<vmem>>, vector<1000x128xf32>
    %sub3A_15 = vector.broadcast %div3A_3 : vector<1x128xf32> to vector<1000x128xf32>
    %sub3A_16 = arith.subf %get3A_14, %sub3A_15 : vector<1000x128xf32>
    %get3A_17 = arith.constant 0 : index
    %get3A_18 = arith.constant 0 : index
    %get3A_19 = vector.load %arg3[%get3A_17, %get3A_18] : memref<1x128xf32, #tpu.memory_space<vmem>>, vector<1x128xf32>
    %mul3A_20 = arith.mulf %get3A_19, %rsqrt3A : vector<1x128xf32>
    %mul3A_21 = vector.broadcast %mul3A_20 : vector<1x128xf32> to vector<1000x128xf32>
    %mul3A_22 = arith.mulf %sub3A_16, %mul3A_21 : vector<1000x128xf32>
    %get3A_23 = arith.constant 0 : index
    %get3A_24 = arith.constant 0 : index
    %get3A_25 = vector.load %arg4[%get3A_23, %get3A_24] : memref<1x128xf32, #tpu.memory_space<vmem>>, vector<1x128xf32>
    %add3A_26 = vector.broadcast %get3A_25 : vector<1x128xf32> to vector<1000x128xf32>
    %add3A_27 = arith.addf %mul3A_22, %add3A_26 : vector<1000x128xf32>
    %get3A_28 = arith.constant 0 : index
    %get3A_29 = arith.constant 0 : index
    %get3A_30 = vector.load %arg5[%get3A_28, %get3A_29] : memref<128x64xf32, #tpu.memory_space<vmem>>, vector<128x64xf32>
    %dot_general3A = arith.constant dense<0.000000e+00> : vector<1000x64xf32>
    %dot_general3A_31 = tpu.matmul %add3A_27, %get3A_30, %dot_general3A {dimension_numbers = #tpu.dot_dimension_numbers<[1], [0], [0], [1], [0, 0, 1, 1], [], []>, transpose_lhs_hint = false} : vector<1000x128xf32>, vector<128x64xf32>, vector<1000x64xf32> -> vector<1000x64xf32>
    %get3A_32 = arith.constant 0 : index
    %get3A_33 = arith.constant 0 : index
    %get3A_34 = vector.load %arg6[%get3A_32, %get3A_33] : memref<1x64xf32, #tpu.memory_space<vmem>>, vector<1x64xf32>
    %add3A_35 = vector.broadcast %get3A_34 : vector<1x64xf32> to vector<1000x64xf32>
    %add3A_36 = arith.addf %dot_general3A_31, %add3A_35 : vector<1000x64xf32>
    %swap3A = arith.constant 0 : index
    %swap3A_37 = arith.constant 0 : index
    %swap3A_38 = vector.load %arg7[%swap3A, %swap3A_37] : memref<1000x64xf32, #tpu.memory_space<vmem>>, vector<1000x64xf32>
    tpu.vector_store %arg7[%swap3A, %swap3A_37], %add3A_36 {strides = array<i32>} : memref<1000x64xf32, #tpu.memory_space<vmem>>, vector<1000x64xf32>,
    return
  }
  func.func @transform_0(%arg0: i32) -> (i32, i32) {
    %c0_i32 = arith.constant 0 : i32
    %c0_i32_0 = arith.constant 0 : i32
    return %arg0, %c0_i32 : i32, i32
  }
  func.func @transform_1(%arg0: i32) -> (i32, i32) {
    %c0_i32 = arith.constant 0 : i32
    %c0_i32_0 = arith.constant 0 : i32
    %c0_i32_1 = arith.constant 0 : i32
    return %c0_i32, %c0_i32_0 : i32, i32
  }
  func.func @transform_2(%arg0: i32) -> (i32, i32) {
    %c0_i32 = arith.constant 0 : i32
    %c0_i32_0 = arith.constant 0 : i32
    %c0_i32_1 = arith.constant 0 : i32
    return %c0_i32, %c0_i32_0 : i32, i32
  }
  func.func @transform_3(%arg0: i32) -> (i32, i32) {
    %c0_i32 = arith.constant 0 : i32
    %c0_i32_0 = arith.constant 0 : i32
    %c0_i32_1 = arith.constant 0 : i32
    return %c0_i32, %c0_i32_0 : i32, i32
  }
  func.func @transform_4(%arg0: i32) -> (i32, i32) {
    %c0_i32 = arith.constant 0 : i32
    %c0_i32_0 = arith.constant 0 : i32
    %c0_i32_1 = arith.constant 0 : i32
    return %c0_i32, %c0_i32_0 : i32, i32
  }
  func.func @transform_5(%arg0: i32) -> (i32, i32) {
    %c0_i32 = arith.constant 0 : i32
    %c0_i32_0 = arith.constant 0 : i32
    %c0_i32_1 = arith.constant 0 : i32
    return %c0_i32, %c0_i32_0 : i32, i32
  }
  func.func @transform_6(%arg0: i32) -> (i32, i32) {
    %c0_i32 = arith.constant 0 : i32
    %c0_i32_0 = arith.constant 0 : i32
    return %arg0, %c0_i32 : i32, i32
  }
}

</mosaic_0001>

<sc_bundles>
// kernel: kernel.10.cloned.1.call-start
scs
__scs_entry_jumppad:
0x0: {  	(pc) =	sbr.rel $0x88, $3  }
0x1: {  	(tag) =	ssettag $0x0;
	lr =	simm.s32 $0x1  }
0x2: {  	[smem:$0x3F91] =	sst lr;
	_ =	strace $0xD0000000  }
0x3: {  	_ = 	snop  }
0x4: {  	_ = 	snop  }
0x5: {  	_ = 	snop  }
0x6: {  	_ = 	snop  }
0x7: {  	_ = 	snop  }
__scs_overlays_trampoline_lowered:
0x8: {  	[smem:$0x3FA0] =	sst s0  }
0x9: {  	[smem:$0x3FA1] =	sst s1  }
0xa: {  	[smem:$0x3FA2] =	sst s2  }
0xb: {  	[smem:$0x3FA3] =	sst s3  }
0xc: {  	[smem:$0x3FA4] =	sst s4  }
0xd: {  	[smem:$0x3FA5] =	sst s5  }
0xe: {  	[smem:$0x3FA6] =	sst s6  }
0xf: {  	[smem:$0x3FA7] =	sst s7  }
0x10: {  	[smem:$0x3FA8] =	sst s8  }
0x11: {  	[smem:$0x3FA9] =	sst s9;
	s0 =	simm.s32 @!p0 $0x0  }
0x12: {  	s1 =	sld [smem:$0x3F8F];
	s0 =	simm.s32 @p0 $0x1  }
0x13: {  	[smem:$0x3FAA] =	sst s0;
	s0 =	simm.s32 @!p1 $0x0  }
0x14: {  	s2 =	sld [smem:$0x3F8E];
	s0 =	simm.s32 @p1 $0x1  }
0x15: {  	[smem:$0x3FAB] =	sst s0;
	s0 =	simm.s32 @!p2 $0x0  }
0x16: {  	s3 =	sld [smem:$0x3FDB];
	s0 =	simm.s32 @p2 $0x1  }
0x17: {  	s4 =	simm.s32 $0x1BF5;
	[smem:$0x3FAD] =	sst s0  }
0x18: {  	s0 =	sld [smem:$0x3F90];
	_ =	swait.ge [sflag:s4], $0x0  }
0x19: {  	s7 =	sld [smem:$0x3F91]  }
0x1a: {  	s8 =	sadd.s32 $0xFFFFE003, lr  }
0x1b: {  	s9 =	sadd.s32 $0xFFFFFEF7, lr;
	s5 =	simm.s32 $0xFFFFFFFF;
	p2 =	slt.u32 s8, $0xFFFFF086  }
0x1c: {  	p1 =	slt.u32 s9, $0xF7A;
	s5 =	simm.s32 @!p2 $0x0  }
0x1d: {  	s5 =	simm.s32 @p1 $0x1;
	p0 =	seq.s32 s7, s2  }
0x1e: {  	s7 =	smul.u32 @!p0 $0xF7A, s2;
	p2 =	seq.s32 @!p0 s5, $0x0  }
0x1f: {  	s9 =	smul.u32 $0xF7A, s1;
	s8 =	simm.s32 @!p0 $0x1BF5;
	p2 =	por !p2, p0  }
0x20: {  	[sflag:s8] =	ssyncset.s32 @!p0 $0xFFFFF086;
	s6 =	sadd.s32 @!p0 s3, s7;
	s7 =	simm.s32 @!p0 $0x108  }
0x21: {  	s3 =	sadd.s32 s3, s9;
	s6 =	sadd.s32 @!p0 $0x88, s6;
	s7 =	simm.s32 @p2 $0x1082  }
0x22: {  	[simem:s7], [sflag:s8] =	dma.local @!p0 [hbm:s6], $0xF7A  }
0x23: {  	s9 =	sor.u32 $0xD0000000, s2;
	s6 =	simm.s32 $0x108;
	_ =	swait.ge @!p0 [sflag:s8], $0x0  }
0x24: {  	s3 =	sadd.s32 $0x88, s3;
	s6 =	simm.s32 @!p1 $0x1082;
	[sflag:s4] =	ssyncset.s32 $0xFFFFF086  }
0x25: {  	[simem:s6], [sflag:s4] =	dma.local [hbm:s3], $0xF7A  }
0x26: {  	[smem:$0x3F91] =	sst s1;
	(tag) =	ssettag s2;
	_ =	strace s9  }
0x27: {  	s1 =	sld [smem:$0x3FA1]  }
0x28: {  	s2 =	sld [smem:$0x3FA2]  }
0x29: {  	s4 =	sld [smem:$0x3FA4]  }
0x2a: {  	p0 =	seq.s32 s5, $0x0;
	s5 =	sld [smem:$0x3FA5]  }
0x2b: {  	s6 =	sld [smem:$0x3FA6]  }
0x2c: {  	s7 =	sld [smem:$0x3FA7]  }
0x2d: {  	s3 =	simm.s32 $0x108;
	s8 =	sld [smem:$0x3FA8]  }
0x2e: {  	s3 =	simm.s32 @!p0 $0x1082;
	s9 =	sld [smem:$0x3FA9]  }
0x2f: {  	lr =	sadd.s32 s0, s3;
	s0 =	sld [smem:$0x3FA0]  }
0x30: {  	s3 =	sld [smem:$0x3FA3]  }
0x31: {  	[smem:$0x3FAC] =	sst s10  }
0x32: {  	s10 =	sld [smem:$0x3FAA];
	_ =	sdelay $0x3  }
0x33: {  	p0 =	seq.s32 s10, $0x1;
	s10 =	sld [smem:$0x3FAC];
	_ =	sdelay $0x3  }
0x34: {  	[smem:$0x3FAC] =	sst s10  }
0x35: {  	s10 =	sld [smem:$0x3FAB];
	_ =	sdelay $0x3  }
0x36: {  	p1 =	seq.s32 s10, $0x1;
	s10 =	sld [smem:$0x3FAC];
	_ =	sdelay $0x3  }
0x37: {  	[smem:$0x3FAC] =	sst s10  }
0x38: {  	s10 =	sld [smem:$0x3FAD]  }
0x39: {  	_ = 	snop;
	(pc) =	sbr.ind lr, $3  }
0x3a: {  	_ = 	snop  }
0x3b: {  	_ = 	snop  }
0x3c: {  	p2 =	seq.s32 s10, $0x1;
	s10 =	sld [smem:$0x3FAC]  }
0x3d: {  	_ =	shalt  }
0x3e: {  	_ =	shalt  }
0x3f: {  	_ =	shalt  }
0x40: {  	_ =	shalt  }
0x41: {  	_ =	shalt  }
0x42: {  	_ =	shalt  }
0x43: {  	_ =	shalt  }
0x44: {  	_ =	shalt  }
0x45: {  	_ =	shalt  }
0x46: {  	_ =	shalt  }
0x47: {  	_ =	shalt  }
0x48: {  	_ =	shalt  }
0x49: {  	_ =	shalt  }
0x4a: {  	_ =	shalt  }
0x4b: {  	_ =	shalt  }
0x4c: {  	_ =	shalt  }
0x4d: {  	_ =	shalt  }
0x4e: {  	_ =	shalt  }
0x4f: {  	_ =	shalt  }
0x50: {  	_ =	shalt  }
0x51: {  	_ =	shalt  }
0x52: {  	_ =	shalt  }
0x53: {  	_ =	shalt  }
0x54: {  	_ =	shalt  }
0x55: {  	_ =	shalt  }
0x56: {  	_ =	shalt  }
0x57: {  	_ =	shalt  }
0x58: {  	_ =	shalt  }
0x59: {  	_ =	shalt  }
0x5a: {  	_ =	shalt  }
0x5b: {  	_ =	shalt  }
0x5c: {  	_ =	shalt  }
0x5d: {  	_ =	shalt  }
0x5e: {  	_ =	shalt  }
0x5f: {  	_ =	shalt  }
0x60: {  	_ =	shalt  }
0x61: {  	_ =	shalt  }
0x62: {  	_ =	shalt  }
0x63: {  	_ =	shalt  }
0x64: {  	_ =	shalt  }
0x65: {  	_ =	shalt  }
0x66: {  	_ =	shalt  }
0x67: {  	_ =	shalt  }
0x68: {  	_ =	shalt  }
0x69: {  	_ =	shalt  }
0x6a: {  	_ =	shalt  }
0x6b: {  	_ =	shalt  }
0x6c: {  	_ =	shalt  }
0x6d: {  	_ =	shalt  }
0x6e: {  	_ =	shalt  }
0x6f: {  	_ =	shalt  }
0x70: {  	_ =	shalt  }
0x71: {  	_ =	shalt  }
0x72: {  	_ =	shalt  }
0x73: {  	_ =	shalt  }
0x74: {  	_ =	shalt  }
0x75: {  	_ =	shalt  }
0x76: {  	_ =	shalt  }
0x77: {  	_ =	shalt  }
0x78: {  	_ =	shalt  }
0x79: {  	_ =	shalt  }
0x7a: {  	_ =	shalt  }
0x7b: {  	_ =	shalt  }
0x7c: {  	_ =	shalt  }
0x7d: {  	_ =	shalt  }
0x7e: {  	_ =	shalt  }
0x7f: {  	_ =	shalt  }
0x80: {  	_ =	shalt  }
0x81: {  	_ =	shalt  }
0x82: {  	_ =	shalt  }
0x83: {  	_ =	shalt  }
0x84: {  	_ =	shalt  }
0x85: {  	_ =	shalt  }
0x86: {  	_ =	shalt  }
0x87: {  	_ =	shalt  }
.Lfunc_end0:
.L_simem_size_0:
called_computation_lowered:
.L_overlay_start_0:
0x88: {  	s2 =	sld [smem:$0x3FD9]  }
0x89: {  	s3 =	sld [smem:$0x3FFE];
	_ =	sdelay $0x1  }
0x8a: {  	s1 =	srdreg.scid  }
0x8b: {  	s0 =	sand.u32 $0x1, s1  }
0x8c: {  	s17 =	sshll.u32 s0, $0xA;
	s2 =	sadd.s32 s3, s2  }
0x8d: {  	s2 =	sadd.s32 s2, s17  }
0x8e: {  	[smem:$0x3FB8] =	sst s2  }
0x8f: {  	_ = 	snop  }
0x90: {  	s2 =	sld [smem:$0x3FD0];
	(tm) =	ssettm $0x1  }
0x91: {  	s18 =	sld [smem:$0x3FFB];
	_ =	sdelay $0x3  }
0x92: {  	_ =	strace s18  }
0x93: {  	s3 =	sld [smem:$0x3FFC];
	_ =	sdelay $0x3  }
0x94: {  	_ =	strace s3  }
0x95: {  	s3 =	sld [smem:$0x3FFD];
	_ =	sdelay $0x3  }
0x96: {  	_ =	strace s3  }
0x97: {  	_ =	strace $0x8FFFFFFF  }
0x98: {  	s19 =	sld [smem:$0x3FDB];
	_ =	sdelay $0x1  }
0x99: {  	s4 =	simm.s32 $_scs_section_size  }
0x9a: {  	s5 =	simm.s32 $_size__tile_overlayer_lowered;
	s6 =	simm.s32 $_tile_overlayer_lowered  }
0x9b: {  	s22 =	simm.s32 $0x1BFF;
	s21 =	sshll.u32 s6, $0x1;
	s3 =	sadd.s32 s4, s19  }
0x9c: {  	s7 =	simm.s32 $0x0;
	s20 =	sshll.u32 s5, $0x1;
	s5 =	sadd.s32 s21, s3  }
0x9d: {  	[timem:s7], [sflag:s22] =	dma.local [hbm:s5], s20  }
0x9e: {  	_ =	swait.ge [sflag:s22], s20  }
0x9f: {  	s4 =	ssub.s32 $0x0, s20;
	[sflag:s22] =	ssyncset.done $0x0  }
0xa0: {  	[sflag:s22] =	ssyncadd.s32 s4;
	_ =	sdelay $0x1  }
0xa1: {  	s23 =	simm.s32 $0x1B8B  }
0xa2: {  	_ =	swait.ge [sflag:s23], $0x1  }
0xa3: {  	[sflag:s23] =	ssyncset.done $0x0  }
0xa4: {  	s25 =	simm.s32 $0x1B8E;
	s24 =	sld [smem:$0x3FFE];
	[sflag:s23] =	ssyncadd.s32 $0xFFFFFFFF  }
0xa5: {  	s26 =	simm.s32 $execute0_lowered;
	[smem:$0x3FD2] =	sst s25  }
0xa6: {  	s5 =	sshll.u32 s26, $0x1;
	_ =	strace $0x80000046;
	[dreg:$0x1] =	wrdreg $0xFFFFFFFF  }
0xa7: {  	s28 =	simm.s32 $_size_execute0_lowered;
	s3 =	sadd.s32 s3, s5;
	[dreg:$0x0] =	wrdreg $0x0  }
0xa8: {  	s5 =	sshll.u32 s28, $0x1;
	[dreg:$0x2] =	wrdreg s3  }
0xa9: {  	[dreg:$0x3] =	wrdreg s5  }
0xaa: {  	[dreg:$0x4] =	wrdreg $0xC0  }
0xab: {  	_ =	task [dreg:s7], $0x5FFFF  }
0xac: {  	[dreg:$0x1] =	wrdreg $0xFFFFFFFF  }
0xad: {  	[dreg:$0x0] =	wrdreg $0x60  }
0xae: {  	[dreg:$0x2] =	wrdreg s2  }
0xaf: {  	[dreg:$0x3] =	wrdreg s24  }
0xb0: {  	[dreg:$0x4] =	wrdreg $0x68000  }
0xb1: {  	[dreg:$0x5] =	wrdreg $0x9  }
0xb2: {  	_ =	task.clear_ibuf [dreg:s7], $0x6FFFF;
	_ =	strace $0x90000046  }
0xb3: {  	s29 =	simm.s32 $0x9;
	_ =	strace $0x80000048  }
0xb4: {  	_ =	swait.ge [sflag:s29], $0x1  }
0xb5: {  	[sflag:s29] =	ssyncadd.s32 $0xFFFFFFFF  }
0xb6: {  	_ =	strace $0x90000048  }
0xb7: {  	_ =	sfence  }
0xb8: {  	s30 =	sld [smem:$0x0];
	_ =	sdelay $0x2  }
0xb9: {  	s31 =	sshll.u32 s1, $0xD;
	s1 =	sshrl.u32 s1, $0x2  }
0xba: {  	s3 =	sand.u32 $0x4000, s31;
	s1 =	sadd.s32 s1, s30  }
0xbb: {  	s0 =	sor.u32 s3, s0;
	s1 =	sshll.u32 s1, $0x11  }
0xbc: {  	s0 =	sor.u32 s1, s0  }
0xbd: {  	s0 =	sadd.s32 $0x8F2B, s0  }
0xbe: {  	[sflag:s0] =	ssyncadd.remote.s32 $0x1  }
0xbf: {  	_ =	sfence.sel $0xFFFF  }
0xc0: {  	[dreg:$0x0] =	wrdreg $0xFFFFFFFF;
	(pc) =	sbr.abs _section_cstart, $3  }
0xc1: {  	[dreg:$0x1] =	wrdreg $0xFFFFFFFF  }
0xc2: {  	_ =	task.clear_ibuf [dreg:s7], $0x2FFFF;
	_ =	strace $0x9FFFFFFF  }
0xc3: {  	(tm) =	ssettm $0x7FFFFFFF  }
tec
execute0_lowered:
.L_overlay_start_1:
0x0: {  	(tag) =	ssettag $0x1  }
0x1: {  	s6 =	rddreg [dreg:$0x0]  }
0x2: {  	s7 =	rddreg [dreg:$0x1]  }
0x3: {  	s1 =	rddreg [dreg:$0x2]  }
0x4: {  	s0 =	rddreg [dreg:$0x3];
	s3 =	simm.s32 $0x0;
	s2 =	srdreg.scid  }
0x5: {  	s13 =	simm.s32 $0x80;
	[smem:$0x7FF] =	sst s3;
	s8 =	sand.u32 $0x1, s2  }
0x6: {  	s14 =	simm.s32 $0x0;
	s2 =	stileid.u32;
	s9 =	smul.u32 $0x140000, s8  }
0x7: {  	s4 =	sadd.s32 $0x17C00, s7;
	s5 =	sadd.s32 $0x1A400, s7;
	s10 =	smul.u32 $0x14000, s2  }
0x8: {  	_ =	strace $0x80000047;
	s11 =	sshll.u32 s8, $0x4;
	s29 =	smul.u32 $0x50000, s2  }
0x9: {  	s8 =	ssub.s32 $0x2, s8;
	s31 =	sshll.u32 s2, $0x6;
	s28 =	sor.u32 s2, s11  }
0xa: {  	s30 =	sshrl.u32 s8, $0x1;
	s9 =	sadd.s32 s10, s9;
	s10 =	smul.u32 $0x500, s28  }
0xb: {  	s11 =	sshrl.u32 s29, $0x2;
	s8 =	ssub.s32 s8, s30;
	s9 =	sshrl.u32 s9, $0x3  }
0xc: {  	s12 =	sadd.s32 s11, s1;
	s8 =	smax.u32 s8, $0x1;
	s11 =	sor.u32 $0x1C01, s31  }
0xd: {  	s7 =	sadd.s32 s9, s7;
	s6 =	sadd.s32 s6, s10;
	s9 =	simm.s32 $0x1  }
0xe: {  	s10 =	simm.s32 $0x2800;
	s12 =	sshrl.u32 s12, $0x3;
	s7 =	sadd.s32 $0x1AC00, s7  }
.LBB2_1:
0xf: {  	[tilespmem:s3], [sflag:$0x1] =	stream.linear.gather [hbm4b:s6+s3], $0x2800, $0x38;
	[tilespmem:$0x1A800] =	vst v63  }
0x10: {  	_ =	swait.ge [sflag:s9], $0x2800  }
0x11: {  	[sflag:s9] =	ssyncset.done $0x0  }
0x12: {  	[sflag:s9] =	ssyncadd.s32 $0xFFFFD800  }
0x13: {  	[tilespmem:s10], [sflag:$0x1] =	stream.linear.gather [hbm4b:s5+s3], $0x4000, $0x38;
	[tilespmem:$0x1A800] =	vst v63  }
0x14: {  	_ =	swait.ge [sflag:s9], $0x4000  }
0x15: {  	[sflag:s9] =	ssyncset.done $0x0  }
0x16: {  	[sflag:s9] =	ssyncadd.s32 $0xFFFFC000  }
0x17: {  	[spmem:s12], [sflag:s11] =	dma.local [hbm:s4], $0x2800  }
0x18: {  	_ =	swait.ge [sflag:s9], $0x2800  }
0x19: {  	[sflag:s9] =	ssyncset.done $0x0  }
0x1a: {  	[sflag:s9] =	ssyncadd.s32 $0xFFFFD800  }
0x1b: {  	s15 =	simm.s32 $0x0;
	[bflag:$0x0] =	sbarrier.arrive $0xFFFF  }
0x1c: {  	[spmem:s1] =	stream.indirect.scatter.add.f32 [tilespmem:s10], [sflag:$0x1], $0x80, s15, s13, $0xb8;
	[tilespmem:$0x1A800] =	vst v63  }
0x1d: {  	_ =	swait.ge [sflag:s9], $0x4000  }
0x1e: {  	s15 =	simm.s32 $0x200;
	[sflag:s9] =	ssyncset.done $0x0  }
.LBB2_2:
0x1f: {  	s16 =	sshra.s32 s15, $0x2;
	[sflag:s9] =	ssyncadd.s32 $0xFFFFC000;
	p0 =	sne.s32 s15, $0x9E00  }
0x20: {  	[spmem:s1] =	stream.indirect.scatter.add.f32 [tilespmem:s10], [sflag:$0x1], $0x80, s16, s13, $0xb8;
	[tilespmem:$0x1A800] =	vst v63  }
.Ltmp0:
0x21: {  	_ = 	snop;
	(pc) =	sbr.rel @p0 .LBB2_2-.Ltmp0, $4  }
0x22: {  	_ = 	snop  }
0x23: {  	s15 =	sadd.s32 $0x200, s15  }
0x24: {  	_ =	swait.ge [sflag:s9], $0x4000  }
0x25: {  	[sflag:s9] =	ssyncset.done $0x0  }
0x26: {  	s14 =	sadd.s32 $0x1, s14  }
0x27: {  	[sflag:s9] =	ssyncadd.s32 $0xFFFFC000;
	p0 =	sne.s32 s14, s8  }
.Ltmp1:
0x28: {  	[bflag:$0x0] =	sbarrier.arrive $0xFFFF;
	(pc) =	sbr.rel @p0 .LBB2_1-.Ltmp1, $4  }
0x29: {  	[hbm:s7], [sflag:s11] =	dma.local [spmem:s12], $0x2800  }
0x2a: {  	_ =	swait.ge [sflag:s9], $0x2800  }
0x2b: {  	[sflag:s9] =	ssyncset.done $0x0  }
0x2c: {  	[sflag:s9] =	ssyncadd.s32 $0xFFFFD800  }
0x2d: {  	_ =	sfence.sel $0x180000  }
0x2e: {  	[bflag:$0x0] =	sbarrier.arrive $0xFFFF  }
0x2f: {  	p0 =	sne.s32 s2, $0x0;
	_ =	strace $0x90000047  }
0x30: {  	s0 =	sadd.s32 @!p0 $0x100000, s0;
	[bflag:$0x2] =	sbarrier.arrive $0xFFFF  }
0x31: {  	[sflag:s0] =	ssyncadd.tile.s32 @!p0 $0x1;
	_ =	shalt  }
.Lfunc_end2:
_tile_overlayer_lowered:
.L_overlay_start_2:
0x32: {  	(tag) =	ssettag $0x2  }
0x33: {  	s0 =	rddreg [dreg:$0x0];
	s2 =	stileid.u32  }
0x34: {  	s1 =	rddreg [dreg:$0x1];
	p0 =	sne.s32 s2, $0x0  }
0x35: {  	s3 =	rddreg [dreg:$0x2];
	[bflag:$0x3] =	sbarrier.arrive $0xFFFF;
	s2 =	simm.s32 @!p0 $0x1C01  }
0x36: {  	[timem:s3], [sflag:s2] =	dma.local @!p0 [hbm:s0], s1  }
0x37: {  	s0 =	simm.s32 @!p0 $0x1  }
0x38: {  	_ =	swait.ge @!p0 [sflag:s0], s1  }
0x39: {  	s1 =	ssub.s32 @!p0 $0x0, s1;
	[sflag:s0] =	ssyncset.done @!p0 $0x0  }
0x3a: {  	[sflag:s0] =	ssyncadd.s32 @!p0 s1  }
0x3b: {  	[bflag:$0x3] =	sbarrier.arrive $0xFFFF  }
0x3c: {  	_ =	shalt  }

// kernel: kernel.13.cloned.1.call-start
scs
__scs_entry_jumppad:
0x0: {  	(pc) =	sbr.rel $0x88, $3  }
0x1: {  	(tag) =	ssettag $0x0;
	lr =	simm.s32 $0x1  }
0x2: {  	[smem:$0x3F91] =	sst lr;
	_ =	strace $0xD0000000  }
0x3: {  	_ = 	snop  }
0x4: {  	_ = 	snop  }
0x5: {  	_ = 	snop  }
0x6: {  	_ = 	snop  }
0x7: {  	_ = 	snop  }
__scs_overlays_trampoline_lowered:
0x8: {  	[smem:$0x3FA0] =	sst s0  }
0x9: {  	[smem:$0x3FA1] =	sst s1  }
0xa: {  	[smem:$0x3FA2] =	sst s2  }
0xb: {  	[smem:$0x3FA3] =	sst s3  }
0xc: {  	[smem:$0x3FA4] =	sst s4  }
0xd: {  	[smem:$0x3FA5] =	sst s5  }
0xe: {  	[smem:$0x3FA6] =	sst s6  }
0xf: {  	[smem:$0x3FA7] =	sst s7  }
0x10: {  	[smem:$0x3FA8] =	sst s8  }
0x11: {  	[smem:$0x3FA9] =	sst s9;
	s0 =	simm.s32 @!p0 $0x0  }
0x12: {  	s1 =	sld [smem:$0x3F8F];
	s0 =	simm.s32 @p0 $0x1  }
0x13: {  	[smem:$0x3FAA] =	sst s0;
	s0 =	simm.s32 @!p1 $0x0  }
0x14: {  	s2 =	sld [smem:$0x3F8E];
	s0 =	simm.s32 @p1 $0x1  }
0x15: {  	[smem:$0x3FAB] =	sst s0;
	s0 =	simm.s32 @!p2 $0x0  }
0x16: {  	s3 =	sld [smem:$0x3FDB];
	s0 =	simm.s32 @p2 $0x1  }
0x17: {  	s4 =	simm.s32 $0x1BF5;
	[smem:$0x3FAD] =	sst s0  }
0x18: {  	s0 =	sld [smem:$0x3F90];
	_ =	swait.ge [sflag:s4], $0x0  }
0x19: {  	s7 =	sld [smem:$0x3F91]  }
0x1a: {  	s8 =	sadd.s32 $0xFFFFE003, lr  }
0x1b: {  	s9 =	sadd.s32 $0xFFFFFEF7, lr;
	s5 =	simm.s32 $0xFFFFFFFF;
	p2 =	slt.u32 s8, $0xFFFFF086  }
0x1c: {  	p1 =	slt.u32 s9, $0xF7A;
	s5 =	simm.s32 @!p2 $0x0  }
0x1d: {  	s5 =	simm.s32 @p1 $0x1;
	p0 =	seq.s32 s7, s2  }
0x1e: {  	s7 =	smul.u32 @!p0 $0xF7A, s2;
	p2 =	seq.s32 @!p0 s5, $0x0  }
0x1f: {  	s9 =	smul.u32 $0xF7A, s1;
	s8 =	simm.s32 @!p0 $0x1BF5;
	p2 =	por !p2, p0  }
0x20: {  	[sflag:s8] =	ssyncset.s32 @!p0 $0xFFFFF086;
	s6 =	sadd.s32 @!p0 s3, s7;
	s7 =	simm.s32 @!p0 $0x108  }
0x21: {  	s3 =	sadd.s32 s3, s9;
	s6 =	sadd.s32 @!p0 $0x88, s6;
	s7 =	simm.s32 @p2 $0x1082  }
0x22: {  	[simem:s7], [sflag:s8] =	dma.local @!p0 [hbm:s6], $0xF7A  }
0x23: {  	s9 =	sor.u32 $0xD0000000, s2;
	s6 =	simm.s32 $0x108;
	_ =	swait.ge @!p0 [sflag:s8], $0x0  }
0x24: {  	s3 =	sadd.s32 $0x88, s3;
	s6 =	simm.s32 @!p1 $0x1082;
	[sflag:s4] =	ssyncset.s32 $0xFFFFF086  }
0x25: {  	[simem:s6], [sflag:s4] =	dma.local [hbm:s3], $0xF7A  }
0x26: {  	[smem:$0x3F91] =	sst s1;
	(tag) =	ssettag s2;
	_ =	strace s9  }
0x27: {  	s1 =	sld [smem:$0x3FA1]  }
0x28: {  	s2 =	sld [smem:$0x3FA2]  }
0x29: {  	s4 =	sld [smem:$0x3FA4]  }
0x2a: {  	p0 =	seq.s32 s5, $0x0;
	s5 =	sld [smem:$0x3FA5]  }
0x2b: {  	s6 =	sld [smem:$0x3FA6]  }
0x2c: {  	s7 =	sld [smem:$0x3FA7]  }
0x2d: {  	s3 =	simm.s32 $0x108;
	s8 =	sld [smem:$0x3FA8]  }
0x2e: {  	s3 =	simm.s32 @!p0 $0x1082;
	s9 =	sld [smem:$0x3FA9]  }
0x2f: {  	lr =	sadd.s32 s0, s3;
	s0 =	sld [smem:$0x3FA0]  }
0x30: {  	s3 =	sld [smem:$0x3FA3]  }
0x31: {  	[smem:$0x3FAC] =	sst s10  }
0x32: {  	s10 =	sld [smem:$0x3FAA];
	_ =	sdelay $0x3  }
0x33: {  	p0 =	seq.s32 s10, $0x1;
	s10 =	sld [smem:$0x3FAC];
	_ =	sdelay $0x3  }
0x34: {  	[smem:$0x3FAC] =	sst s10  }
0x35: {  	s10 =	sld [smem:$0x3FAB];
	_ =	sdelay $0x3  }
0x36: {  	p1 =	seq.s32 s10, $0x1;
	s10 =	sld [smem:$0x3FAC];
	_ =	sdelay $0x3  }
0x37: {  	[smem:$0x3FAC] =	sst s10  }
0x38: {  	s10 =	sld [smem:$0x3FAD]  }
0x39: {  	_ = 	snop;
	(pc) =	sbr.ind lr, $3  }
0x3a: {  	_ = 	snop  }
0x3b: {  	_ = 	snop  }
0x3c: {  	p2 =	seq.s32 s10, $0x1;
	s10 =	sld [smem:$0x3FAC]  }
0x3d: {  	_ =	shalt  }
0x3e: {  	_ =	shalt  }
0x3f: {  	_ =	shalt  }
0x40: {  	_ =	shalt  }
0x41: {  	_ =	shalt  }
0x42: {  	_ =	shalt  }
0x43: {  	_ =	shalt  }
0x44: {  	_ =	shalt  }
0x45: {  	_ =	shalt  }
0x46: {  	_ =	shalt  }
0x47: {  	_ =	shalt  }
0x48: {  	_ =	shalt  }
0x49: {  	_ =	shalt  }
0x4a: {  	_ =	shalt  }
0x4b: {  	_ =	shalt  }
0x4c: {  	_ =	shalt  }
0x4d: {  	_ =	shalt  }
0x4e: {  	_ =	shalt  }
0x4f: {  	_ =	shalt  }
0x50: {  	_ =	shalt  }
0x51: {  	_ =	shalt  }
0x52: {  	_ =	shalt  }
0x53: {  	_ =	shalt  }
0x54: {  	_ =	shalt  }
0x55: {  	_ =	shalt  }
0x56: {  	_ =	shalt  }
0x57: {  	_ =	shalt  }
0x58: {  	_ =	shalt  }
0x59: {  	_ =	shalt  }
0x5a: {  	_ =	shalt  }
0x5b: {  	_ =	shalt  }
0x5c: {  	_ =	shalt  }
0x5d: {  	_ =	shalt  }
0x5e: {  	_ =	shalt  }
0x5f: {  	_ =	shalt  }
0x60: {  	_ =	shalt  }
0x61: {  	_ =	shalt  }
0x62: {  	_ =	shalt  }
0x63: {  	_ =	shalt  }
0x64: {  	_ =	shalt  }
0x65: {  	_ =	shalt  }
0x66: {  	_ =	shalt  }
0x67: {  	_ =	shalt  }
0x68: {  	_ =	shalt  }
0x69: {  	_ =	shalt  }
0x6a: {  	_ =	shalt  }
0x6b: {  	_ =	shalt  }
0x6c: {  	_ =	shalt  }
0x6d: {  	_ =	shalt  }
0x6e: {  	_ =	shalt  }
0x6f: {  	_ =	shalt  }
0x70: {  	_ =	shalt  }
0x71: {  	_ =	shalt  }
0x72: {  	_ =	shalt  }
0x73: {  	_ =	shalt  }
0x74: {  	_ =	shalt  }
0x75: {  	_ =	shalt  }
0x76: {  	_ =	shalt  }
0x77: {  	_ =	shalt  }
0x78: {  	_ =	shalt  }
0x79: {  	_ =	shalt  }
0x7a: {  	_ =	shalt  }
0x7b: {  	_ =	shalt  }
0x7c: {  	_ =	shalt  }
0x7d: {  	_ =	shalt  }
0x7e: {  	_ =	shalt  }
0x7f: {  	_ =	shalt  }
0x80: {  	_ =	shalt  }
0x81: {  	_ =	shalt  }
0x82: {  	_ =	shalt  }
0x83: {  	_ =	shalt  }
0x84: {  	_ =	shalt  }
0x85: {  	_ =	shalt  }
0x86: {  	_ =	shalt  }
0x87: {  	_ =	shalt  }
.Lfunc_end0:
.L_simem_size_0:
called_computation.1_lowered:
.L_overlay_start_0:
0x88: {  	s2 =	sld [smem:$0x3FD9]  }
0x89: {  	s3 =	sld [smem:$0x3FFE];
	_ =	sdelay $0x1  }
0x8a: {  	s1 =	srdreg.scid  }
0x8b: {  	s0 =	sand.u32 $0x1, s1  }
0x8c: {  	s16 =	sshll.u32 s0, $0xA;
	s2 =	sadd.s32 s3, s2  }
0x8d: {  	s2 =	sadd.s32 s2, s16  }
0x8e: {  	[smem:$0x3FB8] =	sst s2  }
0x8f: {  	_ = 	snop  }
0x90: {  	(tm) =	ssettm $0x1  }
0x91: {  	s17 =	sld [smem:$0x3FFB];
	_ =	sdelay $0x3  }
0x92: {  	_ =	strace s17  }
0x93: {  	s2 =	sld [smem:$0x3FFC];
	_ =	sdelay $0x3  }
0x94: {  	_ =	strace s2  }
0x95: {  	s2 =	sld [smem:$0x3FFD];
	_ =	sdelay $0x3  }
0x96: {  	_ =	strace s2  }
0x97: {  	_ =	strace $0x8FFFFFFF  }
0x98: {  	s18 =	sld [smem:$0x3FDB];
	_ =	sdelay $0x1  }
0x99: {  	s19 =	simm.s32 $_scs_section_size  }
0x9a: {  	s4 =	simm.s32 $_size__tile_overlayer_lowered;
	s5 =	simm.s32 $_tile_overlayer_lowered  }
0x9b: {  	s22 =	simm.s32 $0x1BFF;
	s21 =	sshll.u32 s5, $0x1;
	s2 =	sadd.s32 s19, s18  }
0x9c: {  	s6 =	simm.s32 $0x0;
	s20 =	sshll.u32 s4, $0x1;
	s4 =	sadd.s32 s21, s2  }
0x9d: {  	[timem:s6], [sflag:s22] =	dma.local [hbm:s4], s20  }
0x9e: {  	_ =	swait.ge [sflag:s22], s20  }
0x9f: {  	s3 =	ssub.s32 $0x0, s20;
	[sflag:s22] =	ssyncset.done $0x0  }
0xa0: {  	[sflag:s22] =	ssyncadd.s32 s3;
	_ =	sdelay $0x1  }
0xa1: {  	s23 =	simm.s32 $0x1B8B  }
0xa2: {  	_ =	swait.ge [sflag:s23], $0x1  }
0xa3: {  	[sflag:s23] =	ssyncset.done $0x0  }
0xa4: {  	s25 =	simm.s32 $0x1B8E;
	s24 =	sld [smem:$0x3FFE];
	[sflag:s23] =	ssyncadd.s32 $0xFFFFFFFF  }
0xa5: {  	s26 =	simm.s32 $execute0_lowered;
	[smem:$0x3FD2] =	sst s25  }
0xa6: {  	s4 =	sshll.u32 s26, $0x1;
	_ =	strace $0x80000049;
	[dreg:$0x1] =	wrdreg $0xFFFFFFFF  }
0xa7: {  	s28 =	simm.s32 $_size_execute0_lowered;
	s2 =	sadd.s32 s2, s4;
	[dreg:$0x0] =	wrdreg $0x0  }
0xa8: {  	s4 =	sshll.u32 s28, $0x1;
	[dreg:$0x2] =	wrdreg s2  }
0xa9: {  	[dreg:$0x3] =	wrdreg s4  }
0xaa: {  	[dreg:$0x4] =	wrdreg $0xC0  }
0xab: {  	_ =	task [dreg:s6], $0x5FFFF  }
0xac: {  	[dreg:$0x1] =	wrdreg $0xFFFFFFFF  }
0xad: {  	[dreg:$0x0] =	wrdreg $0x60  }
0xae: {  	[dreg:$0x2] =	wrdreg s24  }
0xaf: {  	[dreg:$0x3] =	wrdreg $0x84000  }
0xb0: {  	[dreg:$0x4] =	wrdreg $0x9  }
0xb1: {  	_ =	task.clear_ibuf [dreg:s6], $0x5FFFF;
	_ =	strace $0x90000049  }
0xb2: {  	s29 =	simm.s32 $0x9;
	_ =	strace $0x8000004B  }
0xb3: {  	_ =	swait.ge [sflag:s29], $0x1  }
0xb4: {  	[sflag:s29] =	ssyncadd.s32 $0xFFFFFFFF  }
0xb5: {  	_ =	strace $0x9000004B  }
0xb6: {  	_ =	sfence  }
0xb7: {  	s30 =	sld [smem:$0x0];
	_ =	sdelay $0x2  }
0xb8: {  	s31 =	sshll.u32 s1, $0xD;
	s1 =	sshrl.u32 s1, $0x2  }
0xb9: {  	s3 =	sand.u32 $0x4000, s31;
	s1 =	sadd.s32 s1, s30  }
0xba: {  	s0 =	sor.u32 s3, s0;
	s1 =	sshll.u32 s1, $0x11  }
0xbb: {  	s0 =	sor.u32 s1, s0  }
0xbc: {  	s0 =	sadd.s32 $0x8F2B, s0  }
0xbd: {  	[sflag:s0] =	ssyncadd.remote.s32 $0x1  }
0xbe: {  	_ =	sfence.sel $0xFFFF  }
0xbf: {  	[dreg:$0x0] =	wrdreg $0xFFFFFFFF;
	(pc) =	sbr.abs _section_cstart, $3  }
0xc0: {  	[dreg:$0x1] =	wrdreg $0xFFFFFFFF  }
0xc1: {  	_ =	task.clear_ibuf [dreg:s6], $0x2FFFF;
	_ =	strace $0x9FFFFFFF  }
0xc2: {  	(tm) =	ssettm $0x7FFFFFFF  }
0xc3: {  	_ =	shalt  }
tec
execute0_lowered:
.L_overlay_start_1:
0x0: {  	(tag) =	ssettag $0x1  }
0x1: {  	s6 =	rddreg [dreg:$0x0]  }
0x2: {  	s1 =	rddreg [dreg:$0x1];
	s2 =	srdreg.scid  }
0x3: {  	s3 =	simm.s32 $0x0;
	s16 =	simm.s32 $0x80;
	s17 =	simm.s32 $0x400  }
0x4: {  	s18 =	simm.s32 $0x100;
	s19 =	simm.s32 $0x4400;
	s20 =	simm.s32 $0x1  }
0x5: {  	s28 =	simm.s32 $0x380;
	s7 =	sand.u32 $0x1, s2;
	s2 =	stileid.u32  }
0x6: {  	s29 =	simm.s32 $0x0;
	[smem:$0x7FF] =	sst s3;
	s8 =	smul.u32 $0x140000, s7  }
0x7: {  	s12 =	sadd.s32 $0x3C00, s6;
	s4 =	sadd.s32 $0x1A400, s6;
	s9 =	smul.u32 $0x14000, s2  }
0x8: {  	s5 =	sadd.s32 $0x17C00, s6;
	_ =	strace $0x8000004A;
	s11 =	smul.u32 $0x50000, s2  }
0x9: {  	s21 =	sshll.u32 s7, $0x4;
	s10 =	ssub.s32 $0x2, s7;
	s22 =	smul.u32 $0x50000, s7  }
0xa: {  	s25 =	smul.u32 $0x5000, s2;
	s26 =	sshll.u32 s2, $0x6;
	s13 =	sshrl.u32 s10, $0x1  }
0xb: {  	s7 =	sor.u32 $0x1C05, s26;
	s26 =	simm.s32 $0x3;
	s8 =	sadd.s32 s9, s8  }
0xc: {  	s9 =	sor.u32 s2, s21;
	s10 =	ssub.s32 s10, s13;
	s23 =	sshrl.u32 s11, $0x2  }
0xd: {  	s30 =	sadd.s32 s25, s22;
	s21 =	simm.s32 $0x4;
	s22 =	simm.s32 $0x2  }
0xe: {  	s25 =	simm.s32 $0x280;
	s8 =	sshrl.u32 s8, $0x3;
	s9 =	smul.u32 $0x5000, s9  }
0xf: {  	s15 =	sadd.s32 s23, s1;
	s13 =	sor.u32 $0x600, s30;
	s11 =	sor.u32 $0x400, s30  }
0x10: {  	s10 =	smax.u32 s10, $0x1;
	s23 =	simm.s32 $0x180;
	s14 =	sadd.s32 s8, s6  }
0x11: {  	s13 =	sshrl.u32 s13, $0x3;
	s31 =	sshrl.u32 s11, $0x3;
	s24 =	sshrl.u32 s9, $0x3  }
0x12: {  	s9 =	sadd.s32 $0x41600, s14;
	s11 =	sadd.s32 s13, s12;
	s13 =	sshrl.u32 s15, $0x3  }
0x13: {  	s14 =	simm.s32 $0x5;
	s15 =	simm.s32 $0x200;
	s6 =	sadd.s32 s12, s24  }
0x14: {  	s12 =	sadd.s32 s31, s12;
	s24 =	simm.s32 $0x300;
	s8 =	sadd.s32 $0x40, s6  }
.LBB2_1:
0x15: {  	[spmem:s13], [sflag:s7] =	dma.local [hbm:s5], $0x2800  }
0x16: {  	_ =	swait.ge [sflag:s14], $0x2800  }
0x17: {  	[sflag:s14] =	ssyncset.done $0x0  }
0x18: {  	[sflag:s14] =	ssyncadd.s32 $0xFFFFD800  }
0x19: {  	[bflag:$0x0] =	sbarrier.arrive $0xFFFF  }
0x1a: {  	[tilespmem:s3], [sflag:$0x5] =	stream.linear.gather [hbm4b:s6+s3], $0x200, $0x38;
	[tilespmem:$0x1C400] =	vst v63  }
0x1b: {  	_ =	swait.ge [sflag:s14], $0x200  }
0x1c: {  	[sflag:s14] =	ssyncset.done $0x0  }
0x1d: {  	[sflag:s14] =	ssyncadd.s32 $0xFFFFFE00  }
0x1e: {  	[tilespmem:s15], [sflag:$0x4] =	stream.linear.gather [hbm4b:s8+s3], $0x200, $0x38;
	[tilespmem:$0x1C400] =	vst v63  }
0x1f: {  	_ = 	snop  }
0x20: {  	[tilespmem:s17], [sflag:$0x1] =	stream.indirect.gather [hbm4b:s4+s16], $0x80, s3, s16, $0xb8;
	[tilespmem:$0x1C400] =	vst v63  }
0x21: {  	_ = 	snop  }
0x22: {  	[tilespmem:s19], [sflag:$0x2] =	stream.indirect.gather [hbm4b:s4+s16], $0x80, s18, s16, $0xb8;
	[tilespmem:$0x1C400] =	vst v63  }
0x23: {  	_ =	swait.ge [sflag:s20], $0x4000  }
0x24: {  	[sflag:s20] =	ssyncset.done $0x0  }
0x25: {  	[sflag:s20] =	ssyncadd.s32 $0xFFFFC000  }
0x26: {  	[spmem:s1] =	stream.indirect.scatter.add.f32 [tilespmem:s17], [sflag:$0x5], $0x80, s16, s16, $0xb8;
	[tilespmem:$0x1C400] =	vst v63  }
0x27: {  	_ =	swait.ge [sflag:s14], $0x4000  }
0x28: {  	[sflag:s14] =	ssyncset.done $0x0  }
0x29: {  	[sflag:s14] =	ssyncadd.s32 $0xFFFFC000  }
0x2a: {  	_ =	swait.ge [sflag:s21], $0x200  }
0x2b: {  	[sflag:s21] =	ssyncset.done $0x0  }
0x2c: {  	[sflag:s21] =	ssyncadd.s32 $0xFFFFFE00  }
0x2d: {  	[tilespmem:s17], [sflag:$0x1] =	stream.indirect.gather [hbm4b:s4+s16], $0x80, s15, s16, $0xb8;
	[tilespmem:$0x1C400] =	vst v63  }
0x2e: {  	_ =	swait.ge [sflag:s22], $0x4000  }
0x2f: {  	[sflag:s22] =	ssyncset.done $0x0  }
0x30: {  	[sflag:s22] =	ssyncadd.s32 $0xFFFFC000  }
0x31: {  	[spmem:s1] =	stream.indirect.scatter.add.f32 [tilespmem:s19], [sflag:$0x5], $0x80, s23, s16, $0xb8;
	[tilespmem:$0x1C400] =	vst v63  }
0x32: {  	_ =	swait.ge [sflag:s14], $0x4000  }
0x33: {  	[sflag:s14] =	ssyncset.done $0x0  }
0x34: {  	s30 =	sadd.s32 $0x0, s12;
	[sflag:s14] =	ssyncadd.s32 $0xFFFFC000  }
0x35: {  	[tilespmem:s3], [sflag:$0x3] =	stream.linear.gather [hbm4b:s30+s3], $0x200, $0x38;
	[tilespmem:$0x1C400] =	vst v63  }
0x36: {  	_ = 	snop  }
0x37: {  	[tilespmem:s19], [sflag:$0x2] =	stream.indirect.gather [hbm4b:s4+s16], $0x80, s24, s16, $0xb8;
	[tilespmem:$0x1C400] =	vst v63  }
0x38: {  	_ =	swait.ge [sflag:s20], $0x4000  }
0x39: {  	[sflag:s20] =	ssyncset.done $0x0  }
0x3a: {  	[sflag:s20] =	ssyncadd.s32 $0xFFFFC000  }
0x3b: {  	[spmem:s1] =	stream.indirect.scatter.add.f32 [tilespmem:s17], [sflag:$0x5], $0x80, s25, s16, $0xb8;
	[tilespmem:$0x1C400] =	vst v63  }
0x3c: {  	_ =	swait.ge [sflag:s14], $0x4000  }
0x3d: {  	[sflag:s14] =	ssyncset.done $0x0  }
0x3e: {  	[sflag:s14] =	ssyncadd.s32 $0xFFFFC000  }
0x3f: {  	_ =	swait.ge [sflag:s26], $0x200  }
0x40: {  	[sflag:s26] =	ssyncset.done $0x0  }
0x41: {  	[sflag:s26] =	ssyncadd.s32 $0xFFFFFE00  }
0x42: {  	[tilespmem:s17], [sflag:$0x1] =	stream.indirect.gather [hbm4b:s4+s16], $0x80, s3, s16, $0xb8;
	[tilespmem:$0x1C400] =	vst v63  }
0x43: {  	_ =	swait.ge [sflag:s22], $0x4000  }
0x44: {  	[sflag:s22] =	ssyncset.done $0x0  }
0x45: {  	[sflag:s22] =	ssyncadd.s32 $0xFFFFC000  }
0x46: {  	[spmem:s1] =	stream.indirect.scatter.add.f32 [tilespmem:s19], [sflag:$0x5], $0x80, s28, s16, $0xb8;
	[tilespmem:$0x1C400] =	vst v63  }
0x47: {  	_ =	swait.ge [sflag:s14], $0x4000  }
0x48: {  	[sflag:s14] =	ssyncset.done $0x0  }
0x49: {  	s31 =	sadd.s32 $0x0, s11;
	s30 =	simm.s32 $0x80;
	[sflag:s14] =	ssyncadd.s32 $0xFFFFC000  }
.LBB2_2:
0x4a: {  	[tilespmem:s15], [sflag:$0x4] =	stream.linear.gather [hbm4b:s31+s3], $0x200, $0x38;
	[tilespmem:$0x1C400] =	vst v63  }
0x4b: {  	p0 =	sne.s32 s30, $0x900;
	s31 =	smov.u32 s30;
	s30 =	sadd.s32 $0x80, s30  }
0x4c: {  	[tilespmem:s19], [sflag:$0x2] =	stream.indirect.gather [hbm4b:s4+s16], $0x80, s18, s16, $0xb8;
	[tilespmem:$0x1C400] =	vst v63  }
0x4d: {  	_ =	swait.ge [sflag:s20], $0x4000  }
0x4e: {  	[sflag:s20] =	ssyncset.done $0x0  }
0x4f: {  	[sflag:s20] =	ssyncadd.s32 $0xFFFFC000  }
0x50: {  	[spmem:s1] =	stream.indirect.scatter.add.f32 [tilespmem:s17], [sflag:$0x5], $0x80, s16, s16, $0xb8;
	[tilespmem:$0x1C400] =	vst v63  }
0x51: {  	_ =	swait.ge [sflag:s14], $0x4000  }
0x52: {  	[sflag:s14] =	ssyncset.done $0x0  }
0x53: {  	[sflag:s14] =	ssyncadd.s32 $0xFFFFC000  }
0x54: {  	_ =	swait.ge [sflag:s21], $0x200  }
0x55: {  	[sflag:s21] =	ssyncset.done $0x0  }
0x56: {  	[sflag:s21] =	ssyncadd.s32 $0xFFFFFE00  }
0x57: {  	[tilespmem:s17], [sflag:$0x1] =	stream.indirect.gather [hbm4b:s4+s16], $0x80, s15, s16, $0xb8;
	[tilespmem:$0x1C400] =	vst v63  }
0x58: {  	_ =	swait.ge [sflag:s22], $0x4000  }
0x59: {  	[sflag:s22] =	ssyncset.done $0x0  }
0x5a: {  	[sflag:s22] =	ssyncadd.s32 $0xFFFFC000  }
0x5b: {  	[spmem:s1] =	stream.indirect.scatter.add.f32 [tilespmem:s19], [sflag:$0x5], $0x80, s23, s16, $0xb8;
	[tilespmem:$0x1C400] =	vst v63  }
0x5c: {  	_ =	swait.ge [sflag:s14], $0x4000  }
0x5d: {  	[sflag:s14] =	ssyncset.done $0x0  }
0x5e: {  	s0 =	sadd.s32 s31, s12;
	[sflag:s14] =	ssyncadd.s32 $0xFFFFC000  }
0x5f: {  	[tilespmem:s3], [sflag:$0x3] =	stream.linear.gather [hbm4b:s0+s3], $0x200, $0x38;
	[tilespmem:$0x1C400] =	vst v63  }
0x60: {  	_ = 	snop  }
0x61: {  	[tilespmem:s19], [sflag:$0x2] =	stream.indirect.gather [hbm4b:s4+s16], $0x80, s24, s16, $0xb8;
	[tilespmem:$0x1C400] =	vst v63  }
0x62: {  	_ =	swait.ge [sflag:s20], $0x4000  }
0x63: {  	[sflag:s20] =	ssyncset.done $0x0  }
0x64: {  	[sflag:s20] =	ssyncadd.s32 $0xFFFFC000  }
0x65: {  	[spmem:s1] =	stream.indirect.scatter.add.f32 [tilespmem:s17], [sflag:$0x5], $0x80, s25, s16, $0xb8;
	[tilespmem:$0x1C400] =	vst v63  }
0x66: {  	_ =	swait.ge [sflag:s14], $0x4000  }
0x67: {  	[sflag:s14] =	ssyncset.done $0x0  }
0x68: {  	[sflag:s14] =	ssyncadd.s32 $0xFFFFC000  }
0x69: {  	_ =	swait.ge [sflag:s26], $0x200  }
0x6a: {  	[sflag:s26] =	ssyncset.done $0x0  }
0x6b: {  	[sflag:s26] =	ssyncadd.s32 $0xFFFFFE00  }
0x6c: {  	[tilespmem:s17], [sflag:$0x1] =	stream.indirect.gather [hbm4b:s4+s16], $0x80, s3, s16, $0xb8;
	[tilespmem:$0x1C400] =	vst v63  }
0x6d: {  	_ =	swait.ge [sflag:s22], $0x4000  }
0x6e: {  	[sflag:s22] =	ssyncset.done $0x0  }
.Ltmp0:
0x6f: {  	[sflag:s22] =	ssyncadd.s32 $0xFFFFC000;
	(pc) =	sbr.rel @p0 .LBB2_2-.Ltmp0, $4  }
0x70: {  	[spmem:s1] =	stream.indirect.scatter.add.f32 [tilespmem:s19], [sflag:$0x5], $0x80, s28, s16, $0xb8;
	[tilespmem:$0x1C400] =	vst v63  }
0x71: {  	_ =	swait.ge [sflag:s14], $0x4000  }
0x72: {  	[sflag:s14] =	ssyncset.done $0x0  }
0x73: {  	s31 =	sadd.s32 s31, s11;
	[sflag:s14] =	ssyncadd.s32 $0xFFFFC000  }
0x74: {  	[tilespmem:s15], [sflag:$0x4] =	stream.linear.gather [hbm4b:s31+s3], $0x200, $0x38;
	[tilespmem:$0x1C400] =	vst v63  }
0x75: {  	_ = 	snop  }
0x76: {  	[tilespmem:s19], [sflag:$0x2] =	stream.indirect.gather [hbm4b:s4+s16], $0x80, s18, s16, $0xb8;
	[tilespmem:$0x1C400] =	vst v63  }
0x77: {  	_ =	swait.ge [sflag:s20], $0x4000  }
0x78: {  	[sflag:s20] =	ssyncset.done $0x0  }
0x79: {  	[sflag:s20] =	ssyncadd.s32 $0xFFFFC000  }
0x7a: {  	[spmem:s1] =	stream.indirect.scatter.add.f32 [tilespmem:s17], [sflag:$0x5], $0x80, s16, s16, $0xb8;
	[tilespmem:$0x1C400] =	vst v63  }
0x7b: {  	_ =	swait.ge [sflag:s14], $0x4000  }
0x7c: {  	[sflag:s14] =	ssyncset.done $0x0  }
0x7d: {  	[sflag:s14] =	ssyncadd.s32 $0xFFFFC000  }
0x7e: {  	_ =	swait.ge [sflag:s21], $0x200  }
0x7f: {  	[sflag:s21] =	ssyncset.done $0x0  }
0x80: {  	[sflag:s21] =	ssyncadd.s32 $0xFFFFFE00  }
0x81: {  	[tilespmem:s17], [sflag:$0x1] =	stream.indirect.gather [hbm4b:s4+s16], $0x80, s15, s16, $0xb8;
	[tilespmem:$0x1C400] =	vst v63  }
0x82: {  	_ =	swait.ge [sflag:s22], $0x4000  }
0x83: {  	[sflag:s22] =	ssyncset.done $0x0  }
0x84: {  	[sflag:s22] =	ssyncadd.s32 $0xFFFFC000  }
0x85: {  	[spmem:s1] =	stream.indirect.scatter.add.f32 [tilespmem:s19], [sflag:$0x5], $0x80, s23, s16, $0xb8;
	[tilespmem:$0x1C400] =	vst v63  }
0x86: {  	_ =	swait.ge [sflag:s14], $0x4000  }
0x87: {  	[sflag:s14] =	ssyncset.done $0x0  }
0x88: {  	[sflag:s14] =	ssyncadd.s32 $0xFFFFC000  }
0x89: {  	[tilespmem:s19], [sflag:$0x2] =	stream.indirect.gather [hbm4b:s4+s16], $0x80, s24, s16, $0xb8;
	[tilespmem:$0x1C400] =	vst v63  }
0x8a: {  	_ =	swait.ge [sflag:s20], $0x4000  }
0x8b: {  	[sflag:s20] =	ssyncset.done $0x0  }
0x8c: {  	[sflag:s20] =	ssyncadd.s32 $0xFFFFC000  }
0x8d: {  	[spmem:s1] =	stream.indirect.scatter.add.f32 [tilespmem:s17], [sflag:$0x5], $0x80, s25, s16, $0xb8;
	[tilespmem:$0x1C400] =	vst v63  }
0x8e: {  	_ =	swait.ge [sflag:s14], $0x4000  }
0x8f: {  	[sflag:s14] =	ssyncset.done $0x0  }
0x90: {  	[sflag:s14] =	ssyncadd.s32 $0xFFFFC000  }
0x91: {  	_ =	swait.ge [sflag:s22], $0x4000  }
0x92: {  	[sflag:s22] =	ssyncset.done $0x0  }
0x93: {  	[sflag:s22] =	ssyncadd.s32 $0xFFFFC000  }
0x94: {  	[spmem:s1] =	stream.indirect.scatter.add.f32 [tilespmem:s19], [sflag:$0x5], $0x80, s28, s16, $0xb8;
	[tilespmem:$0x1C400] =	vst v63  }
0x95: {  	_ =	swait.ge [sflag:s14], $0x4000  }
0x96: {  	s29 =	sadd.s32 $0x1, s29;
	[sflag:s14] =	ssyncset.done $0x0  }
0x97: {  	p0 =	sne.s32 s29, s10;
	[sflag:s14] =	ssyncadd.s32 $0xFFFFC000  }
.Ltmp1:
0x98: {  	[bflag:$0x0] =	sbarrier.arrive $0xFFFF;
	(pc) =	sbr.rel @p0 .LBB2_1-.Ltmp1, $4  }
0x99: {  	[hbm:s9], [sflag:s7] =	dma.local [spmem:s13], $0x2800  }
0x9a: {  	_ =	swait.ge [sflag:s14], $0x2800  }
0x9b: {  	[sflag:s14] =	ssyncset.done $0x0  }
0x9c: {  	[sflag:s14] =	ssyncadd.s32 $0xFFFFD800  }
0x9d: {  	_ =	sfence.sel $0x180000  }
0x9e: {  	[bflag:$0x0] =	sbarrier.arrive $0xFFFF  }
0x9f: {  	_ =	strace $0x9000004A  }
0xa0: {  	[bflag:$0x2] =	sbarrier.arrive $0xFFFF  }
0xa1: {  	p0 =	sne.s32 s2, $0x0;
	s0 =	rddreg [dreg:$0x2]  }
0xa2: {  	s0 =	sadd.s32 @!p0 $0x100000, s0  }
0xa3: {  	[sflag:s0] =	ssyncadd.tile.s32 @!p0 $0x1;
	_ =	shalt  }
.Lfunc_end2:
_tile_overlayer_lowered:
.L_overlay_start_2:
0xa4: {  	(tag) =	ssettag $0x2  }
0xa5: {  	s0 =	rddreg [dreg:$0x0];
	s2 =	stileid.u32  }
0xa6: {  	s1 =	rddreg [dreg:$0x1];
	p0 =	sne.s32 s2, $0x0  }
0xa7: {  	s3 =	rddreg [dreg:$0x2];
	[bflag:$0x3] =	sbarrier.arrive $0xFFFF;
	s2 =	simm.s32 @!p0 $0x1C05  }
0xa8: {  	[timem:s3], [sflag:s2] =	dma.local @!p0 [hbm:s0], s1  }
0xa9: {  	s0 =	simm.s32 @!p0 $0x5  }
0xaa: {  	_ =	swait.ge @!p0 [sflag:s0], s1  }
0xab: {  	s1 =	ssub.s32 @!p0 $0x0, s1;
	[sflag:s0] =	ssyncset.done @!p0 $0x0  }
0xac: {  	[sflag:s0] =	ssyncadd.s32 @!p0 s1  }
0xad: {  	[bflag:$0x3] =	sbarrier.arrive $0xFFFF  }
0xae: {  	_ =	shalt  }

// kernel: kernel.16.cloned.1.call-start
scs
__scs_entry_jumppad:
0x0: {  	(pc) =	sbr.rel $0x88, $3  }
0x1: {  	(tag) =	ssettag $0x0;
	lr =	simm.s32 $0x1  }
0x2: {  	[smem:$0x3F91] =	sst lr;
	_ =	strace $0xD0000000  }
0x3: {  	_ = 	snop  }
0x4: {  	_ = 	snop  }
0x5: {  	_ = 	snop  }
0x6: {  	_ = 	snop  }
0x7: {  	_ = 	snop  }
__scs_overlays_trampoline_lowered:
0x8: {  	[smem:$0x3FA0] =	sst s0  }
0x9: {  	[smem:$0x3FA1] =	sst s1  }
0xa: {  	[smem:$0x3FA2] =	sst s2  }
0xb: {  	[smem:$0x3FA3] =	sst s3  }
0xc: {  	[smem:$0x3FA4] =	sst s4  }
0xd: {  	[smem:$0x3FA5] =	sst s5  }
0xe: {  	[smem:$0x3FA6] =	sst s6  }
0xf: {  	[smem:$0x3FA7] =	sst s7  }
0x10: {  	[smem:$0x3FA8] =	sst s8  }
0x11: {  	[smem:$0x3FA9] =	sst s9;
	s0 =	simm.s32 @!p0 $0x0  }
0x12: {  	s1 =	sld [smem:$0x3F8F];
	s0 =	simm.s32 @p0 $0x1  }
0x13: {  	[smem:$0x3FAA] =	sst s0;
	s0 =	simm.s32 @!p1 $0x0  }
0x14: {  	s2 =	sld [smem:$0x3F8E];
	s0 =	simm.s32 @p1 $0x1  }
0x15: {  	[smem:$0x3FAB] =	sst s0;
	s0 =	simm.s32 @!p2 $0x0  }
0x16: {  	s3 =	sld [smem:$0x3FDB];
	s0 =	simm.s32 @p2 $0x1  }
0x17: {  	s4 =	simm.s32 $0x1BF5;
	[smem:$0x3FAD] =	sst s0  }
0x18: {  	s0 =	sld [smem:$0x3F90];
	_ =	swait.ge [sflag:s4], $0x0  }
0x19: {  	s7 =	sld [smem:$0x3F91]  }
0x1a: {  	s8 =	sadd.s32 $0xFFFFE003, lr  }
0x1b: {  	s9 =	sadd.s32 $0xFFFFFEF7, lr;
	s5 =	simm.s32 $0xFFFFFFFF;
	p2 =	slt.u32 s8, $0xFFFFF086  }
0x1c: {  	p1 =	slt.u32 s9, $0xF7A;
	s5 =	simm.s32 @!p2 $0x0  }
0x1d: {  	s5 =	simm.s32 @p1 $0x1;
	p0 =	seq.s32 s7, s2  }
0x1e: {  	s7 =	smul.u32 @!p0 $0xF7A, s2;
	p2 =	seq.s32 @!p0 s5, $0x0  }
0x1f: {  	s9 =	smul.u32 $0xF7A, s1;
	s8 =	simm.s32 @!p0 $0x1BF5;
	p2 =	por !p2, p0  }
0x20: {  	[sflag:s8] =	ssyncset.s32 @!p0 $0xFFFFF086;
	s6 =	sadd.s32 @!p0 s3, s7;
	s7 =	simm.s32 @!p0 $0x108  }
0x21: {  	s3 =	sadd.s32 s3, s9;
	s6 =	sadd.s32 @!p0 $0x88, s6;
	s7 =	simm.s32 @p2 $0x1082  }
0x22: {  	[simem:s7], [sflag:s8] =	dma.local @!p0 [hbm:s6], $0xF7A  }
0x23: {  	s9 =	sor.u32 $0xD0000000, s2;
	s6 =	simm.s32 $0x108;
	_ =	swait.ge @!p0 [sflag:s8], $0x0  }
0x24: {  	s3 =	sadd.s32 $0x88, s3;
	s6 =	simm.s32 @!p1 $0x1082;
	[sflag:s4] =	ssyncset.s32 $0xFFFFF086  }
0x25: {  	[simem:s6], [sflag:s4] =	dma.local [hbm:s3], $0xF7A  }
0x26: {  	[smem:$0x3F91] =	sst s1;
	(tag) =	ssettag s2;
	_ =	strace s9  }
0x27: {  	s1 =	sld [smem:$0x3FA1]  }
0x28: {  	s2 =	sld [smem:$0x3FA2]  }
0x29: {  	s4 =	sld [smem:$0x3FA4]  }
0x2a: {  	p0 =	seq.s32 s5, $0x0;
	s5 =	sld [smem:$0x3FA5]  }
0x2b: {  	s6 =	sld [smem:$0x3FA6]  }
0x2c: {  	s7 =	sld [smem:$0x3FA7]  }
0x2d: {  	s3 =	simm.s32 $0x108;
	s8 =	sld [smem:$0x3FA8]  }
0x2e: {  	s3 =	simm.s32 @!p0 $0x1082;
	s9 =	sld [smem:$0x3FA9]  }
0x2f: {  	lr =	sadd.s32 s0, s3;
	s0 =	sld [smem:$0x3FA0]  }
0x30: {  	s3 =	sld [smem:$0x3FA3]  }
0x31: {  	[smem:$0x3FAC] =	sst s10  }
0x32: {  	s10 =	sld [smem:$0x3FAA];
	_ =	sdelay $0x3  }
0x33: {  	p0 =	seq.s32 s10, $0x1;
	s10 =	sld [smem:$0x3FAC];
	_ =	sdelay $0x3  }
0x34: {  	[smem:$0x3FAC] =	sst s10  }
0x35: {  	s10 =	sld [smem:$0x3FAB];
	_ =	sdelay $0x3  }
0x36: {  	p1 =	seq.s32 s10, $0x1;
	s10 =	sld [smem:$0x3FAC];
	_ =	sdelay $0x3  }
0x37: {  	[smem:$0x3FAC] =	sst s10  }
0x38: {  	s10 =	sld [smem:$0x3FAD]  }
0x39: {  	_ = 	snop;
	(pc) =	sbr.ind lr, $3  }
0x3a: {  	_ = 	snop  }
0x3b: {  	_ = 	snop  }
0x3c: {  	p2 =	seq.s32 s10, $0x1;
	s10 =	sld [smem:$0x3FAC]  }
0x3d: {  	_ =	shalt  }
0x3e: {  	_ =	shalt  }
0x3f: {  	_ =	shalt  }
0x40: {  	_ =	shalt  }
0x41: {  	_ =	shalt  }
0x42: {  	_ =	shalt  }
0x43: {  	_ =	shalt  }
0x44: {  	_ =	shalt  }
0x45: {  	_ =	shalt  }
0x46: {  	_ =	shalt  }
0x47: {  	_ =	shalt  }
0x48: {  	_ =	shalt  }
0x49: {  	_ =	shalt  }
0x4a: {  	_ =	shalt  }
0x4b: {  	_ =	shalt  }
0x4c: {  	_ =	shalt  }
0x4d: {  	_ =	shalt  }
0x4e: {  	_ =	shalt  }
0x4f: {  	_ =	shalt  }
0x50: {  	_ =	shalt  }
0x51: {  	_ =	shalt  }
0x52: {  	_ =	shalt  }
0x53: {  	_ =	shalt  }
0x54: {  	_ =	shalt  }
0x55: {  	_ =	shalt  }
0x56: {  	_ =	shalt  }
0x57: {  	_ =	shalt  }
0x58: {  	_ =	shalt  }
0x59: {  	_ =	shalt  }
0x5a: {  	_ =	shalt  }
0x5b: {  	_ =	shalt  }
0x5c: {  	_ =	shalt  }
0x5d: {  	_ =	shalt  }
0x5e: {  	_ =	shalt  }
0x5f: {  	_ =	shalt  }
0x60: {  	_ =	shalt  }
0x61: {  	_ =	shalt  }
0x62: {  	_ =	shalt  }
0x63: {  	_ =	shalt  }
0x64: {  	_ =	shalt  }
0x65: {  	_ =	shalt  }
0x66: {  	_ =	shalt  }
0x67: {  	_ =	shalt  }
0x68: {  	_ =	shalt  }
0x69: {  	_ =	shalt  }
0x6a: {  	_ =	shalt  }
0x6b: {  	_ =	shalt  }
0x6c: {  	_ =	shalt  }
0x6d: {  	_ =	shalt  }
0x6e: {  	_ =	shalt  }
0x6f: {  	_ =	shalt  }
0x70: {  	_ =	shalt  }
0x71: {  	_ =	shalt  }
0x72: {  	_ =	shalt  }
0x73: {  	_ =	shalt  }
0x74: {  	_ =	shalt  }
0x75: {  	_ =	shalt  }
0x76: {  	_ =	shalt  }
0x77: {  	_ =	shalt  }
0x78: {  	_ =	shalt  }
0x79: {  	_ =	shalt  }
0x7a: {  	_ =	shalt  }
0x7b: {  	_ =	shalt  }
0x7c: {  	_ =	shalt  }
0x7d: {  	_ =	shalt  }
0x7e: {  	_ =	shalt  }
0x7f: {  	_ =	shalt  }
0x80: {  	_ =	shalt  }
0x81: {  	_ =	shalt  }
0x82: {  	_ =	shalt  }
0x83: {  	_ =	shalt  }
0x84: {  	_ =	shalt  }
0x85: {  	_ =	shalt  }
0x86: {  	_ =	shalt  }
0x87: {  	_ =	shalt  }
.Lfunc_end0:
.L_simem_size_0:
called_computation.2_lowered:
.L_overlay_start_0:
0x88: {  	s2 =	sld [smem:$0x3FD9]  }
0x89: {  	s3 =	sld [smem:$0x3FFE];
	_ =	sdelay $0x1  }
0x8a: {  	s1 =	srdreg.scid  }
0x8b: {  	s0 =	sand.u32 $0x1, s1  }
0x8c: {  	s16 =	sshll.u32 s0, $0xA;
	s2 =	sadd.s32 s3, s2  }
0x8d: {  	s2 =	sadd.s32 s2, s16  }
0x8e: {  	[smem:$0x3FB8] =	sst s2  }
0x8f: {  	_ = 	snop  }
0x90: {  	(tm) =	ssettm $0x1  }
0x91: {  	s17 =	sld [smem:$0x3FFB];
	_ =	sdelay $0x3  }
0x92: {  	_ =	strace s17  }
0x93: {  	s2 =	sld [smem:$0x3FFC];
	_ =	sdelay $0x3  }
0x94: {  	_ =	strace s2  }
0x95: {  	s2 =	sld [smem:$0x3FFD];
	_ =	sdelay $0x3  }
0x96: {  	_ =	strace s2  }
0x97: {  	_ =	strace $0x8FFFFFFF  }
0x98: {  	s18 =	sld [smem:$0x3FDB];
	_ =	sdelay $0x1  }
0x99: {  	s19 =	simm.s32 $_scs_section_size  }
0x9a: {  	s4 =	simm.s32 $_size__tile_overlayer_lowered;
	s5 =	simm.s32 $_tile_overlayer_lowered  }
0x9b: {  	s22 =	simm.s32 $0x1BFF;
	s21 =	sshll.u32 s5, $0x1;
	s2 =	sadd.s32 s19, s18  }
0x9c: {  	s6 =	simm.s32 $0x0;
	s20 =	sshll.u32 s4, $0x1;
	s4 =	sadd.s32 s21, s2  }
0x9d: {  	[timem:s6], [sflag:s22] =	dma.local [hbm:s4], s20  }
0x9e: {  	_ =	swait.ge [sflag:s22], s20  }
0x9f: {  	s3 =	ssub.s32 $0x0, s20;
	[sflag:s22] =	ssyncset.done $0x0  }
0xa0: {  	[sflag:s22] =	ssyncadd.s32 s3;
	_ =	sdelay $0x1  }
0xa1: {  	s23 =	simm.s32 $0x1B8B  }
0xa2: {  	_ =	swait.ge [sflag:s23], $0x1  }
0xa3: {  	[sflag:s23] =	ssyncset.done $0x0  }
0xa4: {  	s25 =	simm.s32 $0x1B8E;
	s24 =	sld [smem:$0x3FFE];
	[sflag:s23] =	ssyncadd.s32 $0xFFFFFFFF  }
0xa5: {  	s26 =	simm.s32 $execute0_lowered;
	[smem:$0x3FD2] =	sst s25  }
0xa6: {  	s4 =	sshll.u32 s26, $0x1;
	_ =	strace $0x8000004C;
	[dreg:$0x1] =	wrdreg $0xFFFFFFFF  }
0xa7: {  	s28 =	simm.s32 $_size_execute0_lowered;
	s2 =	sadd.s32 s2, s4;
	[dreg:$0x0] =	wrdreg $0x0  }
0xa8: {  	s4 =	sshll.u32 s28, $0x1;
	[dreg:$0x2] =	wrdreg s2  }
0xa9: {  	[dreg:$0x3] =	wrdreg s4  }
0xaa: {  	[dreg:$0x4] =	wrdreg $0xC0  }
0xab: {  	_ =	task [dreg:s6], $0x5FFFF  }
0xac: {  	[dreg:$0x1] =	wrdreg $0xFFFFFFFF  }
0xad: {  	[dreg:$0x0] =	wrdreg $0x60  }
0xae: {  	[dreg:$0x2] =	wrdreg s24  }
0xaf: {  	[dreg:$0x3] =	wrdreg $0x84000  }
0xb0: {  	[dreg:$0x4] =	wrdreg $0x9  }
0xb1: {  	_ =	task.clear_ibuf [dreg:s6], $0x5FFFF;
	_ =	strace $0x9000004C  }
0xb2: {  	s29 =	simm.s32 $0x9;
	_ =	strace $0x8000004E  }
0xb3: {  	_ =	swait.ge [sflag:s29], $0x1  }
0xb4: {  	[sflag:s29] =	ssyncadd.s32 $0xFFFFFFFF  }
0xb5: {  	_ =	strace $0x9000004E  }
0xb6: {  	_ =	sfence  }
0xb7: {  	s30 =	sld [smem:$0x0];
	_ =	sdelay $0x2  }
0xb8: {  	s31 =	sshll.u32 s1, $0xD;
	s1 =	sshrl.u32 s1, $0x2  }
0xb9: {  	s3 =	sand.u32 $0x4000, s31;
	s1 =	sadd.s32 s1, s30  }
0xba: {  	s0 =	sor.u32 s3, s0;
	s1 =	sshll.u32 s1, $0x11  }
0xbb: {  	s0 =	sor.u32 s1, s0  }
0xbc: {  	s0 =	sadd.s32 $0x8F2B, s0  }
0xbd: {  	[sflag:s0] =	ssyncadd.remote.s32 $0x1  }
0xbe: {  	_ =	sfence.sel $0xFFFF  }
0xbf: {  	[dreg:$0x0] =	wrdreg $0xFFFFFFFF;
	(pc) =	sbr.abs _section_cstart, $3  }
0xc0: {  	[dreg:$0x1] =	wrdreg $0xFFFFFFFF  }
0xc1: {  	_ =	task.clear_ibuf [dreg:s6], $0x2FFFF;
	_ =	strace $0x9FFFFFFF  }
0xc2: {  	(tm) =	ssettm $0x7FFFFFFF  }
0xc3: {  	_ =	shalt  }
tec
execute0_lowered:
.L_overlay_start_1:
0x0: {  	(tag) =	ssettag $0x1  }
0x1: {  	s6 =	rddreg [dreg:$0x0]  }
0x2: {  	s1 =	rddreg [dreg:$0x1];
	s2 =	srdreg.scid  }
0x3: {  	s3 =	simm.s32 $0x0;
	s16 =	simm.s32 $0x80;
	s17 =	simm.s32 $0x400  }
0x4: {  	s18 =	simm.s32 $0x100;
	s19 =	simm.s32 $0x4400;
	s20 =	simm.s32 $0x1  }
0x5: {  	s28 =	simm.s32 $0x380;
	s7 =	sand.u32 $0x1, s2;
	s2 =	stileid.u32  }
0x6: {  	s29 =	simm.s32 $0x0;
	[smem:$0x7FF] =	sst s3;
	s8 =	smul.u32 $0x140000, s7  }
0x7: {  	s12 =	sadd.s32 $0x3C00, s6;
	s4 =	sadd.s32 $0x1A400, s6;
	s9 =	smul.u32 $0x14000, s2  }
0x8: {  	s5 =	sadd.s32 $0x17C00, s6;
	_ =	strace $0x8000004D;
	s11 =	smul.u32 $0x50000, s2  }
0x9: {  	s21 =	sshll.u32 s7, $0x4;
	s10 =	ssub.s32 $0x2, s7;
	s22 =	smul.u32 $0x50000, s7  }
0xa: {  	s25 =	smul.u32 $0x5000, s2;
	s26 =	sshll.u32 s2, $0x6;
	s13 =	sshrl.u32 s10, $0x1  }
0xb: {  	s7 =	sor.u32 $0x1C05, s26;
	s26 =	simm.s32 $0x3;
	s8 =	sadd.s32 s9, s8  }
0xc: {  	s9 =	sor.u32 s2, s21;
	s10 =	ssub.s32 s10, s13;
	s23 =	sshrl.u32 s11, $0x2  }
0xd: {  	s30 =	sadd.s32 s25, s22;
	s21 =	simm.s32 $0x4;
	s22 =	simm.s32 $0x2  }
0xe: {  	s25 =	simm.s32 $0x280;
	s8 =	sshrl.u32 s8, $0x3;
	s9 =	smul.u32 $0x5000, s9  }
0xf: {  	s15 =	sadd.s32 s23, s1;
	s13 =	sor.u32 $0x600, s30;
	s11 =	sor.u32 $0x400, s30  }
0x10: {  	s10 =	smax.u32 s10, $0x1;
	s23 =	simm.s32 $0x180;
	s14 =	sadd.s32 s8, s6  }
0x11: {  	s13 =	sshrl.u32 s13, $0x3;
	s31 =	sshrl.u32 s11, $0x3;
	s24 =	sshrl.u32 s9, $0x3  }
0x12: {  	s9 =	sadd.s32 $0x41600, s14;
	s11 =	sadd.s32 s13, s12;
	s13 =	sshrl.u32 s15, $0x3  }
0x13: {  	s14 =	simm.s32 $0x5;
	s15 =	simm.s32 $0x200;
	s6 =	sadd.s32 s12, s24  }
0x14: {  	s12 =	sadd.s32 s31, s12;
	s24 =	simm.s32 $0x300;
	s8 =	sadd.s32 $0x40, s6  }
.LBB2_1:
0x15: {  	[spmem:s13], [sflag:s7] =	dma.local [hbm:s5], $0x2800  }
0x16: {  	_ =	swait.ge [sflag:s14], $0x2800  }
0x17: {  	[sflag:s14] =	ssyncset.done $0x0  }
0x18: {  	[sflag:s14] =	ssyncadd.s32 $0xFFFFD800  }
0x19: {  	[bflag:$0x0] =	sbarrier.arrive $0xFFFF  }
0x1a: {  	[tilespmem:s3], [sflag:$0x5] =	stream.linear.gather [hbm4b:s6+s3], $0x200, $0x38;
	[tilespmem:$0x1C400] =	vst v63  }
0x1b: {  	_ =	swait.ge [sflag:s14], $0x200  }
0x1c: {  	[sflag:s14] =	ssyncset.done $0x0  }
0x1d: {  	[sflag:s14] =	ssyncadd.s32 $0xFFFFFE00  }
0x1e: {  	[tilespmem:s15], [sflag:$0x4] =	stream.linear.gather [hbm4b:s8+s3], $0x200, $0x38;
	[tilespmem:$0x1C400] =	vst v63  }
0x1f: {  	_ = 	snop  }
0x20: {  	[tilespmem:s17], [sflag:$0x1] =	stream.indirect.gather [hbm4b:s4+s16], $0x80, s3, s16, $0xb8;
	[tilespmem:$0x1C400] =	vst v63  }
0x21: {  	_ = 	snop  }
0x22: {  	[tilespmem:s19], [sflag:$0x2] =	stream.indirect.gather [hbm4b:s4+s16], $0x80, s18, s16, $0xb8;
	[tilespmem:$0x1C400] =	vst v63  }
0x23: {  	_ =	swait.ge [sflag:s20], $0x4000  }
0x24: {  	[sflag:s20] =	ssyncset.done $0x0  }
0x25: {  	[sflag:s20] =	ssyncadd.s32 $0xFFFFC000  }
0x26: {  	[spmem:s1] =	stream.indirect.scatter.add.f32 [tilespmem:s17], [sflag:$0x5], $0x80, s16, s16, $0xb8;
	[tilespmem:$0x1C400] =	vst v63  }
0x27: {  	_ =	swait.ge [sflag:s14], $0x4000  }
0x28: {  	[sflag:s14] =	ssyncset.done $0x0  }
0x29: {  	[sflag:s14] =	ssyncadd.s32 $0xFFFFC000  }
0x2a: {  	_ =	swait.ge [sflag:s21], $0x200  }
0x2b: {  	[sflag:s21] =	ssyncset.done $0x0  }
0x2c: {  	[sflag:s21] =	ssyncadd.s32 $0xFFFFFE00  }
0x2d: {  	[tilespmem:s17], [sflag:$0x1] =	stream.indirect.gather [hbm4b:s4+s16], $0x80, s15, s16, $0xb8;
	[tilespmem:$0x1C400] =	vst v63  }
0x2e: {  	_ =	swait.ge [sflag:s22], $0x4000  }
0x2f: {  	[sflag:s22] =	ssyncset.done $0x0  }
0x30: {  	[sflag:s22] =	ssyncadd.s32 $0xFFFFC000  }
0x31: {  	[spmem:s1] =	stream.indirect.scatter.add.f32 [tilespmem:s19], [sflag:$0x5], $0x80, s23, s16, $0xb8;
	[tilespmem:$0x1C400] =	vst v63  }
0x32: {  	_ =	swait.ge [sflag:s14], $0x4000  }
0x33: {  	[sflag:s14] =	ssyncset.done $0x0  }
0x34: {  	s30 =	sadd.s32 $0x0, s12;
	[sflag:s14] =	ssyncadd.s32 $0xFFFFC000  }
0x35: {  	[tilespmem:s3], [sflag:$0x3] =	stream.linear.gather [hbm4b:s30+s3], $0x200, $0x38;
	[tilespmem:$0x1C400] =	vst v63  }
0x36: {  	_ = 	snop  }
0x37: {  	[tilespmem:s19], [sflag:$0x2] =	stream.indirect.gather [hbm4b:s4+s16], $0x80, s24, s16, $0xb8;
	[tilespmem:$0x1C400] =	vst v63  }
0x38: {  	_ =	swait.ge [sflag:s20], $0x4000  }
0x39: {  	[sflag:s20] =	ssyncset.done $0x0  }
0x3a: {  	[sflag:s20] =	ssyncadd.s32 $0xFFFFC000  }
0x3b: {  	[spmem:s1] =	stream.indirect.scatter.add.f32 [tilespmem:s17], [sflag:$0x5], $0x80, s25, s16, $0xb8;
	[tilespmem:$0x1C400] =	vst v63  }
0x3c: {  	_ =	swait.ge [sflag:s14], $0x4000  }
0x3d: {  	[sflag:s14] =	ssyncset.done $0x0  }
0x3e: {  	[sflag:s14] =	ssyncadd.s32 $0xFFFFC000  }
0x3f: {  	_ =	swait.ge [sflag:s26], $0x200  }
0x40: {  	[sflag:s26] =	ssyncset.done $0x0  }
0x41: {  	[sflag:s26] =	ssyncadd.s32 $0xFFFFFE00  }
0x42: {  	[tilespmem:s17], [sflag:$0x1] =	stream.indirect.gather [hbm4b:s4+s16], $0x80, s3, s16, $0xb8;
	[tilespmem:$0x1C400] =	vst v63  }
0x43: {  	_ =	swait.ge [sflag:s22], $0x4000  }
0x44: {  	[sflag:s22] =	ssyncset.done $0x0  }
0x45: {  	[sflag:s22] =	ssyncadd.s32 $0xFFFFC000  }
0x46: {  	[spmem:s1] =	stream.indirect.scatter.add.f32 [tilespmem:s19], [sflag:$0x5], $0x80, s28, s16, $0xb8;
	[tilespmem:$0x1C400] =	vst v63  }
0x47: {  	_ =	swait.ge [sflag:s14], $0x4000  }
0x48: {  	[sflag:s14] =	ssyncset.done $0x0  }
0x49: {  	s31 =	sadd.s32 $0x0, s11;
	s30 =	simm.s32 $0x80;
	[sflag:s14] =	ssyncadd.s32 $0xFFFFC000  }
.LBB2_2:
0x4a: {  	[tilespmem:s15], [sflag:$0x4] =	stream.linear.gather [hbm4b:s31+s3], $0x200, $0x38;
	[tilespmem:$0x1C400] =	vst v63  }
0x4b: {  	p0 =	sne.s32 s30, $0x900;
	s31 =	smov.u32 s30;
	s30 =	sadd.s32 $0x80, s30  }
0x4c: {  	[tilespmem:s19], [sflag:$0x2] =	stream.indirect.gather [hbm4b:s4+s16], $0x80, s18, s16, $0xb8;
	[tilespmem:$0x1C400] =	vst v63  }
0x4d: {  	_ =	swait.ge [sflag:s20], $0x4000  }
0x4e: {  	[sflag:s20] =	ssyncset.done $0x0  }
0x4f: {  	[sflag:s20] =	ssyncadd.s32 $0xFFFFC000  }
0x50: {  	[spmem:s1] =	stream.indirect.scatter.add.f32 [tilespmem:s17], [sflag:$0x5], $0x80, s16, s16, $0xb8;
	[tilespmem:$0x1C400] =	vst v63  }
0x51: {  	_ =	swait.ge [sflag:s14], $0x4000  }
0x52: {  	[sflag:s14] =	ssyncset.done $0x0  }
0x53: {  	[sflag:s14] =	ssyncadd.s32 $0xFFFFC000  }
0x54: {  	_ =	swait.ge [sflag:s21], $0x200  }
0x55: {  	[sflag:s21] =	ssyncset.done $0x0  }
0x56: {  	[sflag:s21] =	ssyncadd.s32 $0xFFFFFE00  }
0x57: {  	[tilespmem:s17], [sflag:$0x1] =	stream.indirect.gather [hbm4b:s4+s16], $0x80, s15, s16, $0xb8;
	[tilespmem:$0x1C400] =	vst v63  }
0x58: {  	_ =	swait.ge [sflag:s22], $0x4000  }
0x59: {  	[sflag:s22] =	ssyncset.done $0x0  }
0x5a: {  	[sflag:s22] =	ssyncadd.s32 $0xFFFFC000  }
0x5b: {  	[spmem:s1] =	stream.indirect.scatter.add.f32 [tilespmem:s19], [sflag:$0x5], $0x80, s23, s16, $0xb8;
	[tilespmem:$0x1C400] =	vst v63  }
0x5c: {  	_ =	swait.ge [sflag:s14], $0x4000  }
0x5d: {  	[sflag:s14] =	ssyncset.done $0x0  }
0x5e: {  	s0 =	sadd.s32 s31, s12;
	[sflag:s14] =	ssyncadd.s32 $0xFFFFC000  }
0x5f: {  	[tilespmem:s3], [sflag:$0x3] =	stream.linear.gather [hbm4b:s0+s3], $0x200, $0x38;
	[tilespmem:$0x1C400] =	vst v63  }
0x60: {  	_ = 	snop  }
0x61: {  	[tilespmem:s19], [sflag:$0x2] =	stream.indirect.gather [hbm4b:s4+s16], $0x80, s24, s16, $0xb8;
	[tilespmem:$0x1C400] =	vst v63  }
0x62: {  	_ =	swait.ge [sflag:s20], $0x4000  }
0x63: {  	[sflag:s20] =	ssyncset.done $0x0  }
0x64: {  	[sflag:s20] =	ssyncadd.s32 $0xFFFFC000  }
0x65: {  	[spmem:s1] =	stream.indirect.scatter.add.f32 [tilespmem:s17], [sflag:$0x5], $0x80, s25, s16, $0xb8;
	[tilespmem:$0x1C400] =	vst v63  }
0x66: {  	_ =	swait.ge [sflag:s14], $0x4000  }
0x67: {  	[sflag:s14] =	ssyncset.done $0x0  }
0x68: {  	[sflag:s14] =	ssyncadd.s32 $0xFFFFC000  }
0x69: {  	_ =	swait.ge [sflag:s26], $0x200  }
0x6a: {  	[sflag:s26] =	ssyncset.done $0x0  }
0x6b: {  	[sflag:s26] =	ssyncadd.s32 $0xFFFFFE00  }
0x6c: {  	[tilespmem:s17], [sflag:$0x1] =	stream.indirect.gather [hbm4b:s4+s16], $0x80, s3, s16, $0xb8;
	[tilespmem:$0x1C400] =	vst v63  }
0x6d: {  	_ =	swait.ge [sflag:s22], $0x4000  }
0x6e: {  	[sflag:s22] =	ssyncset.done $0x0  }
.Ltmp0:
0x6f: {  	[sflag:s22] =	ssyncadd.s32 $0xFFFFC000;
	(pc) =	sbr.rel @p0 .LBB2_2-.Ltmp0, $4  }
0x70: {  	[spmem:s1] =	stream.indirect.scatter.add.f32 [tilespmem:s19], [sflag:$0x5], $0x80, s28, s16, $0xb8;
	[tilespmem:$0x1C400] =	vst v63  }
0x71: {  	_ =	swait.ge [sflag:s14], $0x4000  }
0x72: {  	[sflag:s14] =	ssyncset.done $0x0  }
0x73: {  	s31 =	sadd.s32 s31, s11;
	[sflag:s14] =	ssyncadd.s32 $0xFFFFC000  }
0x74: {  	[tilespmem:s15], [sflag:$0x4] =	stream.linear.gather [hbm4b:s31+s3], $0x200, $0x38;
	[tilespmem:$0x1C400] =	vst v63  }
0x75: {  	_ = 	snop  }
0x76: {  	[tilespmem:s19], [sflag:$0x2] =	stream.indirect.gather [hbm4b:s4+s16], $0x80, s18, s16, $0xb8;
	[tilespmem:$0x1C400] =	vst v63  }
0x77: {  	_ =	swait.ge [sflag:s20], $0x4000  }
0x78: {  	[sflag:s20] =	ssyncset.done $0x0  }
0x79: {  	[sflag:s20] =	ssyncadd.s32 $0xFFFFC000  }
0x7a: {  	[spmem:s1] =	stream.indirect.scatter.add.f32 [tilespmem:s17], [sflag:$0x5], $0x80, s16, s16, $0xb8;
	[tilespmem:$0x1C400] =	vst v63  }
0x7b: {  	_ =	swait.ge [sflag:s14], $0x4000  }
0x7c: {  	[sflag:s14] =	ssyncset.done $0x0  }
0x7d: {  	[sflag:s14] =	ssyncadd.s32 $0xFFFFC000  }
0x7e: {  	_ =	swait.ge [sflag:s21], $0x200  }
0x7f: {  	[sflag:s21] =	ssyncset.done $0x0  }
0x80: {  	[sflag:s21] =	ssyncadd.s32 $0xFFFFFE00  }
0x81: {  	[tilespmem:s17], [sflag:$0x1] =	stream.indirect.gather [hbm4b:s4+s16], $0x80, s15, s16, $0xb8;
	[tilespmem:$0x1C400] =	vst v63  }
0x82: {  	_ =	swait.ge [sflag:s22], $0x4000  }
0x83: {  	[sflag:s22] =	ssyncset.done $0x0  }
0x84: {  	[sflag:s22] =	ssyncadd.s32 $0xFFFFC000  }
0x85: {  	[spmem:s1] =	stream.indirect.scatter.add.f32 [tilespmem:s19], [sflag:$0x5], $0x80, s23, s16, $0xb8;
	[tilespmem:$0x1C400] =	vst v63  }
0x86: {  	_ =	swait.ge [sflag:s14], $0x4000  }
0x87: {  	[sflag:s14] =	ssyncset.done $0x0  }
0x88: {  	[sflag:s14] =	ssyncadd.s32 $0xFFFFC000  }
0x89: {  	[tilespmem:s19], [sflag:$0x2] =	stream.indirect.gather [hbm4b:s4+s16], $0x80, s24, s16, $0xb8;
	[tilespmem:$0x1C400] =	vst v63  }
0x8a: {  	_ =	swait.ge [sflag:s20], $0x4000  }
0x8b: {  	[sflag:s20] =	ssyncset.done $0x0  }
0x8c: {  	[sflag:s20] =	ssyncadd.s32 $0xFFFFC000  }
0x8d: {  	[spmem:s1] =	stream.indirect.scatter.add.f32 [tilespmem:s17], [sflag:$0x5], $0x80, s25, s16, $0xb8;
	[tilespmem:$0x1C400] =	vst v63  }
0x8e: {  	_ =	swait.ge [sflag:s14], $0x4000  }
0x8f: {  	[sflag:s14] =	ssyncset.done $0x0  }
0x90: {  	[sflag:s14] =	ssyncadd.s32 $0xFFFFC000  }
0x91: {  	_ =	swait.ge [sflag:s22], $0x4000  }
0x92: {  	[sflag:s22] =	ssyncset.done $0x0  }
0x93: {  	[sflag:s22] =	ssyncadd.s32 $0xFFFFC000  }
0x94: {  	[spmem:s1] =	stream.indirect.scatter.add.f32 [tilespmem:s19], [sflag:$0x5], $0x80, s28, s16, $0xb8;
	[tilespmem:$0x1C400] =	vst v63  }
0x95: {  	_ =	swait.ge [sflag:s14], $0x4000  }
0x96: {  	s29 =	sadd.s32 $0x1, s29;
	[sflag:s14] =	ssyncset.done $0x0  }
0x97: {  	p0 =	sne.s32 s29, s10;
	[sflag:s14] =	ssyncadd.s32 $0xFFFFC000  }
.Ltmp1:
0x98: {  	[bflag:$0x0] =	sbarrier.arrive $0xFFFF;
	(pc) =	sbr.rel @p0 .LBB2_1-.Ltmp1, $4  }
0x99: {  	[hbm:s9], [sflag:s7] =	dma.local [spmem:s13], $0x2800  }
0x9a: {  	_ =	swait.ge [sflag:s14], $0x2800  }
0x9b: {  	[sflag:s14] =	ssyncset.done $0x0  }
0x9c: {  	[sflag:s14] =	ssyncadd.s32 $0xFFFFD800  }
0x9d: {  	_ =	sfence.sel $0x180000  }
0x9e: {  	[bflag:$0x0] =	sbarrier.arrive $0xFFFF  }
0x9f: {  	_ =	strace $0x9000004D  }
0xa0: {  	[bflag:$0x2] =	sbarrier.arrive $0xFFFF  }
0xa1: {  	p0 =	sne.s32 s2, $0x0;
	s0 =	rddreg [dreg:$0x2]  }
0xa2: {  	s0 =	sadd.s32 @!p0 $0x100000, s0  }
0xa3: {  	[sflag:s0] =	ssyncadd.tile.s32 @!p0 $0x1;
	_ =	shalt  }
.Lfunc_end2:
_tile_overlayer_lowered:
.L_overlay_start_2:
0xa4: {  	(tag) =	ssettag $0x2  }
0xa5: {  	s0 =	rddreg [dreg:$0x0];
	s2 =	stileid.u32  }
0xa6: {  	s1 =	rddreg [dreg:$0x1];
	p0 =	sne.s32 s2, $0x0  }
0xa7: {  	s3 =	rddreg [dreg:$0x2];
	[bflag:$0x3] =	sbarrier.arrive $0xFFFF;
	s2 =	simm.s32 @!p0 $0x1C05  }
0xa8: {  	[timem:s3], [sflag:s2] =	dma.local @!p0 [hbm:s0], s1  }
0xa9: {  	s0 =	simm.s32 @!p0 $0x5  }
0xaa: {  	_ =	swait.ge @!p0 [sflag:s0], s1  }
0xab: {  	s1 =	ssub.s32 @!p0 $0x0, s1;
	[sflag:s0] =	ssyncset.done @!p0 $0x0  }
0xac: {  	[sflag:s0] =	ssyncadd.s32 @!p0 s1  }
0xad: {  	[bflag:$0x3] =	sbarrier.arrive $0xFFFF  }
0xae: {  	_ =	shalt  }

</sc_bundles>
